<compile_context>
chip_gen: v7x
topology: tpu7x:2x2x1
jax: 0.10.2.dev20260603
libtpu: 0.0.44.dev20260713+nightly
codegen_flags: <defaults>
</compile_context>

<pallas_src>
import dataclasses
import functools

import jax
import jax.numpy as jnp
from jax import lax
from jax.experimental import pallas as pl
from jax.experimental.pallas import tpu as pltpu
from jax.experimental.pallas import tpu_sc as plsc

N = 10000
NP = 10240
E = 160000
EP = 163840
D = 256
H = 128
K = 512
KS = 160
NSUB = 16
NCORE = 2
CROWS = NP // H
ROWS_PER_TILE = NP // NSUB
EPT = EP // NSUB
CHUNKS = EPT // K
CHUNKS_S = EPT // KS
RB = 1280
GRID = NP // RB


@functools.lru_cache(maxsize=None)
def _sc_kernels():
    mesh = plsc.VectorSubcoreMesh(core_axis_name="c", subcore_axis_name="s")
    cp = pltpu.CompilerParams()
    if "needs_layout_passes" in pltpu.CompilerParams.__dataclass_fields__:
        cp = dataclasses.replace(cp, needs_layout_passes=False)

    @functools.partial(
        pl.kernel,
        out_type=(jax.ShapeDtypeStruct((CROWS, H), jnp.int32),
                  jax.ShapeDtypeStruct((CROWS, H), jnp.int32)),
        mesh=mesh,
        compiler_params=cp,
        scratch_types=[
            pltpu.VMEM_SHARED((CROWS, H), jnp.int32),
            pltpu.VMEM((CROWS, H), jnp.int32),
            pltpu.VMEM((K,), jnp.int32),
            pltpu.VMEM((CROWS,), jnp.int32),
        ],
    )
    def degree_kernel(src_hbm, dst_hbm, z80, cs_out, cd_out,
                      acc_sh, cnt_v, idx_v, row_v):
        cid = lax.axis_index("c")
        sid = lax.axis_index("s")
        pltpu.sync_copy(z80, cnt_v)
        for k in range(CROWS // 16):
            row_v[pl.ds(k * 16, 16)] = lax.iota(jnp.int32, 16) + k * 16

        @pl.when(sid == 0)
        def _():
            pltpu.sync_copy(z80, acc_sh)

        ones16 = jnp.ones((16,), jnp.int32)
        e0 = sid * EPT

        @pl.loop(0, CHUNKS)
        def _(j):
            b = pl.ds(e0 + j * K, K)

            @pl.when(cid == 0)
            def _():
                pltpu.sync_copy(src_hbm.at[b], idx_v)

            @pl.when(cid == 1)
            def _():
                pltpu.sync_copy(dst_hbm.at[b], idx_v)

            for k in range(K // 16):
                v = idx_v[pl.ds(k * 16, 16)]
                hi = lax.shift_right_logical(v, 7)
                lo = lax.bitwise_and(v, 127)
                plsc.addupdate_scatter(cnt_v, [hi, lo], ones16)

        plsc.subcore_barrier()
        pltpu.sync_copy(cnt_v, acc_sh.at[row_v], add=True)
        plsc.subcore_barrier()
        crows = pl.ds(sid * 8, 8)

        @pl.when(jnp.logical_and(cid == 0, sid < 10))
        def _():
            pltpu.sync_copy(acc_sh.at[crows], cs_out.at[crows])

        @pl.when(jnp.logical_and(cid == 1, sid < 10))
        def _():
            pltpu.sync_copy(acc_sh.at[crows], cd_out.at[crows])

    @functools.partial(
        pl.kernel,
        out_type=jax.ShapeDtypeStruct((NCORE * NP, H), jnp.float32),
        mesh=mesh,
        scratch_types=[
            pltpu.VMEM_SHARED((NP, H), jnp.float32),
            pltpu.VMEM((KS,), jnp.int32),
            pltpu.VMEM((KS,), jnp.int32),
            pltpu.VMEM((KS,), jnp.int32),
            pltpu.VMEM((KS,), jnp.int32),
            pltpu.VMEM((KS,), jnp.int32),
            pltpu.VMEM((KS,), jnp.int32),
            pltpu.VMEM((KS, H), jnp.float32),
            pltpu.VMEM((KS, H), jnp.float32),
            pltpu.SemaphoreType.DMA,
            pltpu.SemaphoreType.DMA,
            pltpu.SemaphoreType.DMA,
            pltpu.SemaphoreType.DMA,
            pltpu.SemaphoreType.DMA,
            pltpu.SemaphoreType.DMA,
            pltpu.SemaphoreType.DMA,
            pltpu.SemaphoreType.DMA,
        ],
    )
    def scatter_kernel(src_hbm, dst_hbm, el2, zf, s2_out, acc_sh,
                       src0, src1, ld0, ld1, sd0, sd1, rows0, rows1,
                       sa0, sa1, sb0, sb1, sg0, sg1, ss0, ss1):
        cid = lax.axis_index("c")
        sid = lax.axis_index("s")
        r0 = sid * ROWS_PER_TILE
        rows = pl.ds(r0, ROWS_PER_TILE)
        pltpu.sync_copy(zf.at[rows], acc_sh.at[rows])
        plsc.subcore_barrier()
        e0 = sid * EPT
        off = cid * NP

        src_b = (src0, src1)
        ld_b = (ld0, ld1)
        sd_b = (sd0, sd1)
        rows_b = (rows0, rows1)
        sa_b = (sa0, sa1)
        sb_b = (sb0, sb1)
        sg_b = (sg0, sg1)
        ss_b = (ss0, ss1)

        def issue_idx(j, b):
            e = e0 + j * KS
            pltpu.async_copy(src_hbm.at[pl.ds(e, KS)], src_b[b], sa_b[b])
            pltpu.async_copy(dst_hbm.at[pl.ds(e, KS)], ld_b[b], sb_b[b])

        def wait_idx(j, b):
            e = e0 + j * KS
            pltpu.make_async_copy(
                src_hbm.at[pl.ds(e, KS)], src_b[b], sa_b[b]).wait()
            pltpu.make_async_copy(
                dst_hbm.at[pl.ds(e, KS)], ld_b[b], sb_b[b]).wait()

        def prep(b):
            for k in range(KS // 16):
                sl = pl.ds(k * 16, 16)
                src_b[b][sl] = src_b[b][sl] + off
                sd_b[b][sl] = ld_b[b][sl]

        def issue_gather(b):
            pltpu.async_copy(el2.at[src_b[b]], rows_b[b], sg_b[b])

        def wait_gather(b):
            pltpu.make_async_copy(el2.at[src_b[b]], rows_b[b], sg_b[b]).wait()

        def issue_scatter(b):
            pltpu.async_copy(rows_b[b], acc_sh.at[sd_b[b]], ss_b[b], add=True)

        def wait_scatter(b):
            pltpu.make_async_copy(
                rows_b[b], acc_sh.at[sd_b[b]], ss_b[b]).wait()

        issue_idx(0, 0)
        issue_idx(1, 1)
        wait_idx(0, 0)
        prep(0)
        issue_gather(0)
        wait_idx(1, 1)
        prep(1)
        wait_gather(0)
        issue_scatter(0)
        issue_gather(1)
        issue_idx(2, 0)

        @pl.loop(0, (CHUNKS_S - 2) // 2)
        def _(g):
            j0 = 2 * g + 2

            wait_idx(j0, 0)
            wait_scatter(0)
            prep(0)
            wait_gather(1)
            issue_scatter(1)
            issue_gather(0)
            issue_idx(j0 + 1, 1)

            wait_idx(j0 + 1, 1)
            wait_scatter(1)
            prep(1)
            wait_gather(0)
            issue_scatter(0)
            issue_gather(1)

            @pl.when(j0 + 2 < CHUNKS_S)
            def _():
                issue_idx(j0 + 2, 0)

        wait_gather(1)
        issue_scatter(1)
        wait_scatter(0)
        wait_scatter(1)
        plsc.subcore_barrier()
        out_rows = pl.ds(off + r0, ROWS_PER_TILE)
        pltpu.sync_copy(acc_sh.at[rows], s2_out.at[out_rows])

    return degree_kernel, scatter_kernel


def _scale_body(feat_ref, cnt_ref, el2_ref):
    cnt = cnt_ref[...].astype(jnp.float32)
    norm = lax.rsqrt(jnp.maximum(cnt, 1.0))
    el2_ref[...] = feat_ref[...] * norm


def _final_body(feat_ref, slo_ref, shi_ref, cnt_ref, wm_ref, wn_ref,
                bmn_ref, bn_ref, out_ref):
    cnt = cnt_ref[...].astype(jnp.float32)
    norm = lax.rsqrt(jnp.maximum(cnt, 1.0))
    s = jnp.concatenate([slo_ref[...], shi_ref[...]], axis=1)
    t = norm * s
    f = feat_ref[...]
    out_ref[...] = (
        jnp.dot(t * f, wm_ref[...], preferred_element_type=jnp.float32)
        + jnp.dot(t + f, wn_ref[...], preferred_element_type=jnp.float32)
        + (norm * cnt) * bmn_ref[...]
        + bn_ref[...]
    )


def kernel(feat, edge_index, Wm, bm, Wn, bn):
    pad = jnp.full((EP - E,), N, jnp.int32)
    src = jnp.concatenate([edge_index[0].astype(jnp.int32), pad])
    dst = jnp.concatenate([edge_index[1].astype(jnp.int32), pad])
    feat_p = jnp.pad(feat, ((0, NP - N), (0, 0)))
    z80 = jnp.zeros((CROWS, H), jnp.int32)
    zf = jnp.zeros((NP, H), jnp.float32)

    degree_kernel, scatter_kernel = _sc_kernels()
    cs80, cd80 = degree_kernel(src, dst, z80)
    cs = cs80.reshape(NP, 1)
    cd = cd80.reshape(NP, 1)

    el2 = pl.pallas_call(
        _scale_body,
        grid=(GRID, NCORE),
        in_specs=[
            pl.BlockSpec((RB, H), lambda i, c: (i, c)),
            pl.BlockSpec((RB, 1), lambda i, c: (i, 0)),
        ],
        out_specs=pl.BlockSpec((RB, H), lambda i, c: (c * GRID + i, 0)),
        out_shape=jax.ShapeDtypeStruct((NCORE * NP, H), jnp.float32),
    )(feat_p, cs)

    s2 = scatter_kernel(src, dst, el2, zf)

    out = pl.pallas_call(
        _final_body,
        grid=(GRID,),
        in_specs=[
            pl.BlockSpec((RB, D), lambda i: (i, 0)),
            pl.BlockSpec((RB, H), lambda i: (i, 0)),
            pl.BlockSpec((RB, H), lambda i: (GRID + i, 0)),
            pl.BlockSpec((RB, 1), lambda i: (i, 0)),
            pl.BlockSpec((D, D), lambda i: (0, 0)),
            pl.BlockSpec((D, D), lambda i: (0, 0)),
            pl.BlockSpec((1, D), lambda i: (0, 0)),
            pl.BlockSpec((1, D), lambda i: (0, 0)),
        ],
        out_specs=pl.BlockSpec((RB, D), lambda i: (i, 0)),
        out_shape=jax.ShapeDtypeStruct((N, D), jnp.float32),
    )(feat_p, s2, s2, cd, Wm, Wn,
      (bm + bn).reshape(1, D), bn.reshape(1, D))

    return out

# --- scband reference (transcript-rebuilt; emitter-appended) ---
"""Pipeline reference for scband-ngcfconv-22179211116715 (READ-ONLY COPY).

The authoritative reference and input builder live on the scoring server;
editing this copy changes nothing except your own understanding.
"""

import jax, jax.numpy as jnp
import numpy as np

N_NODES = 10000
N_EDGES = 160000
D_IN = 256
D_OUT = 256

def setup_inputs(seed: int = 0) -> dict:
    key = jax.random.key(seed)
    k1, k2, k3, k4, k5, k6 = jax.random.split(key, 6)
    feat = jax.random.normal(k1, (N_NODES, D_IN), dtype=jnp.float32)
    edge_index = jax.random.randint(k2, (2, N_EDGES), 0, N_NODES, dtype=jnp.int32)
    # Linear layers stored as (in, out) so forward is x @ W + b
    bound = 1.0 / np.sqrt(D_IN)
    xavier = np.sqrt(6.0 / (D_IN + D_OUT))
    Wm = jax.random.uniform(k3, (D_IN, D_OUT), dtype=jnp.float32, minval=-xavier, maxval=xavier)
    bm = jax.random.uniform(k4, (D_OUT,), dtype=jnp.float32, minval=-bound, maxval=bound)
    Wn = jax.random.uniform(k5, (D_IN, D_OUT), dtype=jnp.float32, minval=-xavier, maxval=xavier)
    bn = jax.random.uniform(k6, (D_OUT,), dtype=jnp.float32, minval=-bound, maxval=bound)
    return {"feat": feat, "edge_index": edge_index, "Wm": Wm, "bm": bm, "Wn": Wn, "bn": bn}

def reference(feat, edge_index, Wm, bm, Wn, bn):
    src = edge_index[0]
    dst = edge_index[1]
    # norm == 'both': scale source features by out-degree^-0.5
    deg_out = jnp.maximum(jnp.bincount(src, length=N_NODES).astype(jnp.float32), 1.0)
    norm_src = jnp.power(deg_out, -0.5)
    el = feat * norm_src[:, None]
    er = feat
    # apply_edges(u_mul_v): per-edge elementwise product
    e = el[src] * er[dst]
    # msg_weight on edge features
    e_trans = e @ Wm + bm
    # neighbor_weight on (normalized) source features
    u_trans = el @ Wn + bn
    # apply_edges(u_add_e)
    msg = u_trans[src] + e_trans
    # update_all(copy_e, sum): scatter-add messages to destination nodes
    h = jax.ops.segment_sum(msg, dst, num_segments=N_NODES)
    # dst-side normalization by in-degree^-0.5
    deg_in = jnp.maximum(jnp.bincount(dst, length=N_NODES).astype(jnp.float32), 1.0)
    norm_dst = jnp.power(deg_in, -0.5)
    rst = h * norm_dst[:, None]
    # self-loop term
    loop_rst = er @ Wn + bn
    return rst + loop_rst

if __name__ == "__main__":
    import jax
    _d = setup_inputs()
    print(jax.jit(kernel)(*tuple(_d.values())))

</pallas_src>

<mosaic_0001>
#map = affine_map<(d0, d1) -> (0)>
#map1 = affine_map<(d0, d1) -> (0, 0)>
module attributes {stable_mosaic.version = 14 : i64} {
  func.func @degree_kernel(%arg0: i32, %arg1: i32, %arg2: memref<163840xi32, #tpu.memory_space<hbm>>, %arg3: memref<163840xi32, #tpu.memory_space<hbm>>, %arg4: memref<80x128xi32, #tpu.memory_space<hbm>>, %arg5: memref<80x128xi32, #tpu.memory_space<hbm>>, %arg6: memref<80x128xi32, #tpu.memory_space<hbm>>, %arg7: memref<80x128xi32, #tpu.memory_space<vmem_shared>>, %arg8: memref<80x128xi32, #tpu.memory_space<vmem>>, %arg9: memref<512xi32, #tpu.memory_space<vmem>>, %arg10: memref<80xi32, #tpu.memory_space<vmem>>) attributes {dimension_semantics = [#tpu.dimension_semantics<core_parallel>, #tpu.dimension_semantics<subcore_parallel>], iteration_bounds = array<i64: 2, 16>, scalar_prefetch = 0 : i64, scratch_operands = 4 : i64, tpu.core_type = #tpu.core_type<sc_vector_subcore>, window_params = [{transform_indices = #map}, {transform_indices = #map}, {transform_indices = #map1}, {transform_indices = #map1}, {transform_indices = #map1}]} {
    "tpu.region"() ({
      %run_scoped3A = tpu.sem_alloc : memref<!tpu.dma_semaphore, #tpu.memory_space<semaphore_mem>>
      tpu.enqueue_dma source(%arg4 : memref<80x128xi32, #tpu.memory_space<hbm>>) target(%arg8 : memref<80x128xi32, #tpu.memory_space<vmem>>) target_semaphore(%run_scoped3A : memref<!tpu.dma_semaphore, #tpu.memory_space<semaphore_mem>>)
      tpu.wait_dma2 semaphore(%run_scoped3A : memref<!tpu.dma_semaphore, #tpu.memory_space<semaphore_mem>>) src(%arg4 : memref<80x128xi32, #tpu.memory_space<hbm>>) dst(%arg8 : memref<80x128xi32, #tpu.memory_space<vmem>>)
      tpu.yield
    }) : () -> ()
    %iota3A = tpu.iota {dimensions = array<i32: 0>} : vector<16xi32>
    %add3A = arith.constant 0 : i32
    %add3A_0 = vector.broadcast %add3A : i32 to vector<16xi32>
    %add3A_1 = arith.addi %iota3A, %add3A_0 : vector<16xi32>
    %swap3A = arith.constant 0 : index
    %swap3A_2 = tpu.vector_load %arg10[%swap3A] {strides = array<i32>} : memref<80xi32, #tpu.memory_space<vmem>>, vector<16xi32>,
    tpu.vector_store %arg10[%swap3A], %add3A_1 {strides = array<i32>} : memref<80xi32, #tpu.memory_space<vmem>>, vector<16xi32>,
    %iota3A_3 = tpu.iota {dimensions = array<i32: 0>} : vector<16xi32>
    %add3A_4 = arith.constant 16 : i32
    %add3A_5 = vector.broadcast %add3A_4 : i32 to vector<16xi32>
    %add3A_6 = arith.addi %iota3A_3, %add3A_5 : vector<16xi32>
    %swap3A_7 = arith.constant 16 : index
    %swap3A_8 = tpu.vector_load %arg10[%swap3A_7] {strides = array<i32>} : memref<80xi32, #tpu.memory_space<vmem>>, vector<16xi32>,
    tpu.vector_store %arg10[%swap3A_7], %add3A_6 {strides = array<i32>} : memref<80xi32, #tpu.memory_space<vmem>>, vector<16xi32>,
    %iota3A_9 = tpu.iota {dimensions = array<i32: 0>} : vector<16xi32>
    %add3A_10 = arith.constant 32 : i32
    %add3A_11 = vector.broadcast %add3A_10 : i32 to vector<16xi32>
    %add3A_12 = arith.addi %iota3A_9, %add3A_11 : vector<16xi32>
    %swap3A_13 = arith.constant 32 : index
    %swap3A_14 = tpu.vector_load %arg10[%swap3A_13] {strides = array<i32>} : memref<80xi32, #tpu.memory_space<vmem>>, vector<16xi32>,
    tpu.vector_store %arg10[%swap3A_13], %add3A_12 {strides = array<i32>} : memref<80xi32, #tpu.memory_space<vmem>>, vector<16xi32>,
    %iota3A_15 = tpu.iota {dimensions = array<i32: 0>} : vector<16xi32>
    %add3A_16 = arith.constant 48 : i32
    %add3A_17 = vector.broadcast %add3A_16 : i32 to vector<16xi32>
    %add3A_18 = arith.addi %iota3A_15, %add3A_17 : vector<16xi32>
    %swap3A_19 = arith.constant 48 : index
    %swap3A_20 = tpu.vector_load %arg10[%swap3A_19] {strides = array<i32>} : memref<80xi32, #tpu.memory_space<vmem>>, vector<16xi32>,
    tpu.vector_store %arg10[%swap3A_19], %add3A_18 {strides = array<i32>} : memref<80xi32, #tpu.memory_space<vmem>>, vector<16xi32>,
    %iota3A_21 = tpu.iota {dimensions = array<i32: 0>} : vector<16xi32>
    %add3A_22 = arith.constant 64 : i32
    %add3A_23 = vector.broadcast %add3A_22 : i32 to vector<16xi32>
    %add3A_24 = arith.addi %iota3A_21, %add3A_23 : vector<16xi32>
    %swap3A_25 = arith.constant 64 : index
    %swap3A_26 = tpu.vector_load %arg10[%swap3A_25] {strides = array<i32>} : memref<80xi32, #tpu.memory_space<vmem>>, vector<16xi32>,
    tpu.vector_store %arg10[%swap3A_25], %add3A_24 {strides = array<i32>} : memref<80xi32, #tpu.memory_space<vmem>>, vector<16xi32>,
    %eq3A = arith.constant 0 : i32
    %eq3A_27 = arith.cmpi eq, %arg1, %eq3A : i32
    %convert_element_type3A = arith.extui %eq3A_27 : i1 to i32
    %cond3A = arith.constant 0 : i32
    %cond3A_28 = arith.cmpi ne, %convert_element_type3A, %cond3A : i32
    scf.if %cond3A_28 {
      "tpu.region"() ({
        %run_scoped3A = tpu.sem_alloc : memref<!tpu.dma_semaphore, #tpu.memory_space<semaphore_mem>>
        tpu.enqueue_dma source(%arg4 : memref<80x128xi32, #tpu.memory_space<hbm>>) target(%arg7 : memref<80x128xi32, #tpu.memory_space<vmem_shared>>) target_semaphore(%run_scoped3A : memref<!tpu.dma_semaphore, #tpu.memory_space<semaphore_mem>>)
        tpu.wait_dma2 semaphore(%run_scoped3A : memref<!tpu.dma_semaphore, #tpu.memory_space<semaphore_mem>>) src(%arg4 : memref<80x128xi32, #tpu.memory_space<hbm>>) dst(%arg7 : memref<80x128xi32, #tpu.memory_space<vmem_shared>>)
        tpu.yield
      }) : () -> ()
    } else {
    }
    %broadcast_in_dim3A = arith.constant 1 : i32
    %broadcast_in_dim3A_29 = vector.broadcast %broadcast_in_dim3A : i32 to vector<16xi32>
    %mul3A = arith.constant 10240 : i32
    %mul3A_30 = arith.muli %arg1, %mul3A : i32
    %scan3A = arith.constant 0 : i32
    %scan3A_31 = arith.constant 20 : i32
    %scan3A_32 = arith.addi %scan3A, %scan3A_31 : i32
    %scan3A_33 = arith.constant 1 : i32
    scf.for %scan3A_52 = %scan3A to %scan3A_32 step %scan3A_33  : i32 {
      %mul3A_53 = arith.constant 1 : i32
      %mul3A_54 = arith.muli %scan3A_52, %mul3A_53 : i32
      %add3A_55 = arith.constant 0 : i32
      %add3A_56 = arith.addi %add3A_55, %mul3A_54 : i32
      %mul3A_57 = arith.constant 512 : i32
      %mul3A_58 = arith.muli %add3A_56, %mul3A_57 : i32
      %add3A_59 = arith.addi %mul3A_30, %mul3A_58 : i32
      %eq3A_60 = arith.constant 0 : i32
      %eq3A_61 = arith.cmpi eq, %arg0, %eq3A_60 : i32
      %convert_element_type3A_62 = arith.extui %eq3A_61 : i1 to i32
      %cond3A_63 = arith.constant 0 : i32
      %cond3A_64 = arith.cmpi ne, %convert_element_type3A_62, %cond3A_63 : i32
      scf.if %cond3A_64 {
        "tpu.region"() ({
          %run_scoped3A = tpu.sem_alloc : memref<!tpu.dma_semaphore, #tpu.memory_space<semaphore_mem>>
          %dma_start3A = tpu.memref_slice %arg2[%add3A_59] : memref<163840xi32, #tpu.memory_space<hbm>> -> memref<512xi32, #tpu.memory_space<hbm>>
          %dma_start3A_324 = tpu.memref_slice %arg2[%add3A_59] : memref<163840xi32, #tpu.memory_space<hbm>> -> memref<512xi32, #tpu.memory_space<hbm>>
          tpu.enqueue_dma source(%dma_start3A_324 : memref<512xi32, #tpu.memory_space<hbm>>) target(%arg9 : memref<512xi32, #tpu.memory_space<vmem>>) target_semaphore(%run_scoped3A : memref<!tpu.dma_semaphore, #tpu.memory_space<semaphore_mem>>)
          %dma_wait3A = tpu.memref_slice %arg2[%add3A_59] : memref<163840xi32, #tpu.memory_space<hbm>> -> memref<512xi32, #tpu.memory_space<hbm>>
          %dma_wait3A_325 = tpu.memref_slice %arg2[%add3A_59] : memref<163840xi32, #tpu.memory_space<hbm>> -> memref<512xi32, #tpu.memory_space<hbm>>
          tpu.wait_dma2 semaphore(%run_scoped3A : memref<!tpu.dma_semaphore, #tpu.memory_space<semaphore_mem>>) src(%dma_wait3A_325 : memref<512xi32, #tpu.memory_space<hbm>>) dst(%arg9 : memref<512xi32, #tpu.memory_space<vmem>>)
          tpu.yield
        }) : () -> ()
      } else {
      }
      %eq3A_65 = arith.constant 1 : i32
      %eq3A_66 = arith.cmpi eq, %arg0, %eq3A_65 : i32
      %convert_element_type3A_67 = arith.extui %eq3A_66 : i1 to i32
      %cond3A_68 = arith.constant 0 : i32
      %cond3A_69 = arith.cmpi ne, %convert_element_type3A_67, %cond3A_68 : i32
      scf.if %cond3A_69 {
        "tpu.region"() ({
          %run_scoped3A = tpu.sem_alloc : memref<!tpu.dma_semaphore, #tpu.memory_space<semaphore_mem>>
          %dma_start3A = tpu.memref_slice %arg3[%add3A_59] : memref<163840xi32, #tpu.memory_space<hbm>> -> memref<512xi32, #tpu.memory_space<hbm>>
          %dma_start3A_324 = tpu.memref_slice %arg3[%add3A_59] : memref<163840xi32, #tpu.memory_space<hbm>> -> memref<512xi32, #tpu.memory_space<hbm>>
          tpu.enqueue_dma source(%dma_start3A_324 : memref<512xi32, #tpu.memory_space<hbm>>) target(%arg9 : memref<512xi32, #tpu.memory_space<vmem>>) target_semaphore(%run_scoped3A : memref<!tpu.dma_semaphore, #tpu.memory_space<semaphore_mem>>)
          %dma_wait3A = tpu.memref_slice %arg3[%add3A_59] : memref<163840xi32, #tpu.memory_space<hbm>> -> memref<512xi32, #tpu.memory_space<hbm>>
          %dma_wait3A_325 = tpu.memref_slice %arg3[%add3A_59] : memref<163840xi32, #tpu.memory_space<hbm>> -> memref<512xi32, #tpu.memory_space<hbm>>
          tpu.wait_dma2 semaphore(%run_scoped3A : memref<!tpu.dma_semaphore, #tpu.memory_space<semaphore_mem>>) src(%dma_wait3A_325 : memref<512xi32, #tpu.memory_space<hbm>>) dst(%arg9 : memref<512xi32, #tpu.memory_space<vmem>>)
          tpu.yield
        }) : () -> ()
      } else {
      }
      %get3A = arith.constant 0 : index
      %get3A_70 = tpu.vector_load %arg9[%get3A] {strides = array<i32>} : memref<512xi32, #tpu.memory_space<vmem>>, vector<16xi32>,
      %shift_right_logical3A = arith.constant 7 : i32
      %shift_right_logical3A_71 = vector.broadcast %shift_right_logical3A : i32 to vector<16xi32>
      %shift_right_logical3A_72 = arith.shrui %get3A_70, %shift_right_logical3A_71 : vector<16xi32>
      %and3A_73 = arith.constant 127 : i32
      %and3A_74 = vector.broadcast %and3A_73 : i32 to vector<16xi32>
      %and3A_75 = arith.andi %get3A_70, %and3A_74 : vector<16xi32>
      tpu.vector_store_idx %arg8[%shift_right_logical3A_72, %and3A_75], %broadcast_in_dim3A_29 {add = true} : memref<80x128xi32, #tpu.memory_space<vmem>>[vector<16xi32>, vector<16xi32>], vector<16xi32>,
      %get3A_76 = arith.constant 16 : index
      %get3A_77 = tpu.vector_load %arg9[%get3A_76] {strides = array<i32>} : memref<512xi32, #tpu.memory_space<vmem>>, vector<16xi32>,
      %shift_right_logical3A_78 = arith.constant 7 : i32
      %shift_right_logical3A_79 = vector.broadcast %shift_right_logical3A_78 : i32 to vector<16xi32>
      %shift_right_logical3A_80 = arith.shrui %get3A_77, %shift_right_logical3A_79 : vector<16xi32>
      %and3A_81 = arith.constant 127 : i32
      %and3A_82 = vector.broadcast %and3A_81 : i32 to vector<16xi32>
      %and3A_83 = arith.andi %get3A_77, %and3A_82 : vector<16xi32>
      tpu.vector_store_idx %arg8[%shift_right_logical3A_80, %and3A_83], %broadcast_in_dim3A_29 {add = true} : memref<80x128xi32, #tpu.memory_space<vmem>>[vector<16xi32>, vector<16xi32>], vector<16xi32>,
      %get3A_84 = arith.constant 32 : index
      %get3A_85 = tpu.vector_load %arg9[%get3A_84] {strides = array<i32>} : memref<512xi32, #tpu.memory_space<vmem>>, vector<16xi32>,
      %shift_right_logical3A_86 = arith.constant 7 : i32
      %shift_right_logical3A_87 = vector.broadcast %shift_right_logical3A_86 : i32 to vector<16xi32>
      %shift_right_logical3A_88 = arith.shrui %get3A_85, %shift_right_logical3A_87 : vector<16xi32>
      %and3A_89 = arith.constant 127 : i32
      %and3A_90 = vector.broadcast %and3A_89 : i32 to vector<16xi32>
      %and3A_91 = arith.andi %get3A_85, %and3A_90 : vector<16xi32>
      tpu.vector_store_idx %arg8[%shift_right_logical3A_88, %and3A_91], %broadcast_in_dim3A_29 {add = true} : memref<80x128xi32, #tpu.memory_space<vmem>>[vector<16xi32>, vector<16xi32>], vector<16xi32>,
      %get3A_92 = arith.constant 48 : index
      %get3A_93 = tpu.vector_load %arg9[%get3A_92] {strides = array<i32>} : memref<512xi32, #tpu.memory_space<vmem>>, vector<16xi32>,
      %shift_right_logical3A_94 = arith.constant 7 : i32
      %shift_right_logical3A_95 = vector.broadcast %shift_right_logical3A_94 : i32 to vector<16xi32>
      %shift_right_logical3A_96 = arith.shrui %get3A_93, %shift_right_logical3A_95 : vector<16xi32>
      %and3A_97 = arith.constant 127 : i32
      %and3A_98 = vector.broadcast %and3A_97 : i32 to vector<16xi32>
      %and3A_99 = arith.andi %get3A_93, %and3A_98 : vector<16xi32>
      tpu.vector_store_idx %arg8[%shift_right_logical3A_96, %and3A_99], %broadcast_in_dim3A_29 {add = true} : memref<80x128xi32, #tpu.memory_space<vmem>>[vector<16xi32>, vector<16xi32>], vector<16xi32>,
      %get3A_100 = arith.constant 64 : index
      %get3A_101 = tpu.vector_load %arg9[%get3A_100] {strides = array<i32>} : memref<512xi32, #tpu.memory_space<vmem>>, vector<16xi32>,
      %shift_right_logical3A_102 = arith.constant 7 : i32
      %shift_right_logical3A_103 = vector.broadcast %shift_right_logical3A_102 : i32 to vector<16xi32>
      %shift_right_logical3A_104 = arith.shrui %get3A_101, %shift_right_logical3A_103 : vector<16xi32>
      %and3A_105 = arith.constant 127 : i32
      %and3A_106 = vector.broadcast %and3A_105 : i32 to vector<16xi32>
      %and3A_107 = arith.andi %get3A_101, %and3A_106 : vector<16xi32>
      tpu.vector_store_idx %arg8[%shift_right_logical3A_104, %and3A_107], %broadcast_in_dim3A_29 {add = true} : memref<80x128xi32, #tpu.memory_space<vmem>>[vector<16xi32>, vector<16xi32>], vector<16xi32>,
      %get3A_108 = arith.constant 80 : index
      %get3A_109 = tpu.vector_load %arg9[%get3A_108] {strides = array<i32>} : memref<512xi32, #tpu.memory_space<vmem>>, vector<16xi32>,
      %shift_right_logical3A_110 = arith.constant 7 : i32
      %shift_right_logical3A_111 = vector.broadcast %shift_right_logical3A_110 : i32 to vector<16xi32>
      %shift_right_logical3A_112 = arith.shrui %get3A_109, %shift_right_logical3A_111 : vector<16xi32>
      %and3A_113 = arith.constant 127 : i32
      %and3A_114 = vector.broadcast %and3A_113 : i32 to vector<16xi32>
      %and3A_115 = arith.andi %get3A_109, %and3A_114 : vector<16xi32>
      tpu.vector_store_idx %arg8[%shift_right_logical3A_112, %and3A_115], %broadcast_in_dim3A_29 {add = true} : memref<80x128xi32, #tpu.memory_space<vmem>>[vector<16xi32>, vector<16xi32>], vector<16xi32>,
      %get3A_116 = arith.constant 96 : index
      %get3A_117 = tpu.vector_load %arg9[%get3A_116] {strides = array<i32>} : memref<512xi32, #tpu.memory_space<vmem>>, vector<16xi32>,
      %shift_right_logical3A_118 = arith.constant 7 : i32
      %shift_right_logical3A_119 = vector.broadcast %shift_right_logical3A_118 : i32 to vector<16xi32>
      %shift_right_logical3A_120 = arith.shrui %get3A_117, %shift_right_logical3A_119 : vector<16xi32>
      %and3A_121 = arith.constant 127 : i32
      %and3A_122 = vector.broadcast %and3A_121 : i32 to vector<16xi32>
      %and3A_123 = arith.andi %get3A_117, %and3A_122 : vector<16xi32>
      tpu.vector_store_idx %arg8[%shift_right_logical3A_120, %and3A_123], %broadcast_in_dim3A_29 {add = true} : memref<80x128xi32, #tpu.memory_space<vmem>>[vector<16xi32>, vector<16xi32>], vector<16xi32>,
      %get3A_124 = arith.constant 112 : index
      %get3A_125 = tpu.vector_load %arg9[%get3A_124] {strides = array<i32>} : memref<512xi32, #tpu.memory_space<vmem>>, vector<16xi32>,
      %shift_right_logical3A_126 = arith.constant 7 : i32
      %shift_right_logical3A_127 = vector.broadcast %shift_right_logical3A_126 : i32 to vector<16xi32>
      %shift_right_logical3A_128 = arith.shrui %get3A_125, %shift_right_logical3A_127 : vector<16xi32>
      %and3A_129 = arith.constant 127 : i32
      %and3A_130 = vector.broadcast %and3A_129 : i32 to vector<16xi32>
      %and3A_131 = arith.andi %get3A_125, %and3A_130 : vector<16xi32>
      tpu.vector_store_idx %arg8[%shift_right_logical3A_128, %and3A_131], %broadcast_in_dim3A_29 {add = true} : memref<80x128xi32, #tpu.memory_space<vmem>>[vector<16xi32>, vector<16xi32>], vector<16xi32>,
      %get3A_132 = arith.constant 128 : index
      %get3A_133 = tpu.vector_load %arg9[%get3A_132] {strides = array<i32>} : memref<512xi32, #tpu.memory_space<vmem>>, vector<16xi32>,
      %shift_right_logical3A_134 = arith.constant 7 : i32
      %shift_right_logical3A_135 = vector.broadcast %shift_right_logical3A_134 : i32 to vector<16xi32>
      %shift_right_logical3A_136 = arith.shrui %get3A_133, %shift_right_logical3A_135 : vector<16xi32>
      %and3A_137 = arith.constant 127 : i32
      %and3A_138 = vector.broadcast %and3A_137 : i32 to vector<16xi32>
      %and3A_139 = arith.andi %get3A_133, %and3A_138 : vector<16xi32>
      tpu.vector_store_idx %arg8[%shift_right_logical3A_136, %and3A_139], %broadcast_in_dim3A_29 {add = true} : memref<80x128xi32, #tpu.memory_space<vmem>>[vector<16xi32>, vector<16xi32>], vector<16xi32>,
      %get3A_140 = arith.constant 144 : index
      %get3A_141 = tpu.vector_load %arg9[%get3A_140] {strides = array<i32>} : memref<512xi32, #tpu.memory_space<vmem>>, vector<16xi32>,
      %shift_right_logical3A_142 = arith.constant 7 : i32
      %shift_right_logical3A_143 = vector.broadcast %shift_right_logical3A_142 : i32 to vector<16xi32>
      %shift_right_logical3A_144 = arith.shrui %get3A_141, %shift_right_logical3A_143 : vector<16xi32>
      %and3A_145 = arith.constant 127 : i32
      %and3A_146 = vector.broadcast %and3A_145 : i32 to vector<16xi32>
      %and3A_147 = arith.andi %get3A_141, %and3A_146 : vector<16xi32>
      tpu.vector_store_idx %arg8[%shift_right_logical3A_144, %and3A_147], %broadcast_in_dim3A_29 {add = true} : memref<80x128xi32, #tpu.memory_space<vmem>>[vector<16xi32>, vector<16xi32>], vector<16xi32>,
      %get3A_148 = arith.constant 160 : index
      %get3A_149 = tpu.vector_load %arg9[%get3A_148] {strides = array<i32>} : memref<512xi32, #tpu.memory_space<vmem>>, vector<16xi32>,
      %shift_right_logical3A_150 = arith.constant 7 : i32
      %shift_right_logical3A_151 = vector.broadcast %shift_right_logical3A_150 : i32 to vector<16xi32>
      %shift_right_logical3A_152 = arith.shrui %get3A_149, %shift_right_logical3A_151 : vector<16xi32>
      %and3A_153 = arith.constant 127 : i32
      %and3A_154 = vector.broadcast %and3A_153 : i32 to vector<16xi32>
      %and3A_155 = arith.andi %get3A_149, %and3A_154 : vector<16xi32>
      tpu.vector_store_idx %arg8[%shift_right_logical3A_152, %and3A_155], %broadcast_in_dim3A_29 {add = true} : memref<80x128xi32, #tpu.memory_space<vmem>>[vector<16xi32>, vector<16xi32>], vector<16xi32>,
      %get3A_156 = arith.constant 176 : index
      %get3A_157 = tpu.vector_load %arg9[%get3A_156] {strides = array<i32>} : memref<512xi32, #tpu.memory_space<vmem>>, vector<16xi32>,
      %shift_right_logical3A_158 = arith.constant 7 : i32
      %shift_right_logical3A_159 = vector.broadcast %shift_right_logical3A_158 : i32 to vector<16xi32>
      %shift_right_logical3A_160 = arith.shrui %get3A_157, %shift_right_logical3A_159 : vector<16xi32>
      %and3A_161 = arith.constant 127 : i32
      %and3A_162 = vector.broadcast %and3A_161 : i32 to vector<16xi32>
      %and3A_163 = arith.andi %get3A_157, %and3A_162 : vector<16xi32>
      tpu.vector_store_idx %arg8[%shift_right_logical3A_160, %and3A_163], %broadcast_in_dim3A_29 {add = true} : memref<80x128xi32, #tpu.memory_space<vmem>>[vector<16xi32>, vector<16xi32>], vector<16xi32>,
      %get3A_164 = arith.constant 192 : index
      %get3A_165 = tpu.vector_load %arg9[%get3A_164] {strides = array<i32>} : memref<512xi32, #tpu.memory_space<vmem>>, vector<16xi32>,
      %shift_right_logical3A_166 = arith.constant 7 : i32
      %shift_right_logical3A_167 = vector.broadcast %shift_right_logical3A_166 : i32 to vector<16xi32>
      %shift_right_logical3A_168 = arith.shrui %get3A_165, %shift_right_logical3A_167 : vector<16xi32>
      %and3A_169 = arith.constant 127 : i32
      %and3A_170 = vector.broadcast %and3A_169 : i32 to vector<16xi32>
      %and3A_171 = arith.andi %get3A_165, %and3A_170 : vector<16xi32>
      tpu.vector_store_idx %arg8[%shift_right_logical3A_168, %and3A_171], %broadcast_in_dim3A_29 {add = true} : memref<80x128xi32, #tpu.memory_space<vmem>>[vector<16xi32>, vector<16xi32>], vector<16xi32>,
      %get3A_172 = arith.constant 208 : index
      %get3A_173 = tpu.vector_load %arg9[%get3A_172] {strides = array<i32>} : memref<512xi32, #tpu.memory_space<vmem>>, vector<16xi32>,
      %shift_right_logical3A_174 = arith.constant 7 : i32
      %shift_right_logical3A_175 = vector.broadcast %shift_right_logical3A_174 : i32 to vector<16xi32>
      %shift_right_logical3A_176 = arith.shrui %get3A_173, %shift_right_logical3A_175 : vector<16xi32>
      %and3A_177 = arith.constant 127 : i32
      %and3A_178 = vector.broadcast %and3A_177 : i32 to vector<16xi32>
      %and3A_179 = arith.andi %get3A_173, %and3A_178 : vector<16xi32>
      tpu.vector_store_idx %arg8[%shift_right_logical3A_176, %and3A_179], %broadcast_in_dim3A_29 {add = true} : memref<80x128xi32, #tpu.memory_space<vmem>>[vector<16xi32>, vector<16xi32>], vector<16xi32>,
      %get3A_180 = arith.constant 224 : index
      %get3A_181 = tpu.vector_load %arg9[%get3A_180] {strides = array<i32>} : memref<512xi32, #tpu.memory_space<vmem>>, vector<16xi32>,
      %shift_right_logical3A_182 = arith.constant 7 : i32
      %shift_right_logical3A_183 = vector.broadcast %shift_right_logical3A_182 : i32 to vector<16xi32>
      %shift_right_logical3A_184 = arith.shrui %get3A_181, %shift_right_logical3A_183 : vector<16xi32>
      %and3A_185 = arith.constant 127 : i32
      %and3A_186 = vector.broadcast %and3A_185 : i32 to vector<16xi32>
      %and3A_187 = arith.andi %get3A_181, %and3A_186 : vector<16xi32>
      tpu.vector_store_idx %arg8[%shift_right_logical3A_184, %and3A_187], %broadcast_in_dim3A_29 {add = true} : memref<80x128xi32, #tpu.memory_space<vmem>>[vector<16xi32>, vector<16xi32>], vector<16xi32>,
      %get3A_188 = arith.constant 240 : index
      %get3A_189 = tpu.vector_load %arg9[%get3A_188] {strides = array<i32>} : memref<512xi32, #tpu.memory_space<vmem>>, vector<16xi32>,
      %shift_right_logical3A_190 = arith.constant 7 : i32
      %shift_right_logical3A_191 = vector.broadcast %shift_right_logical3A_190 : i32 to vector<16xi32>
      %shift_right_logical3A_192 = arith.shrui %get3A_189, %shift_right_logical3A_191 : vector<16xi32>
      %and3A_193 = arith.constant 127 : i32
      %and3A_194 = vector.broadcast %and3A_193 : i32 to vector<16xi32>
      %and3A_195 = arith.andi %get3A_189, %and3A_194 : vector<16xi32>
      tpu.vector_store_idx %arg8[%shift_right_logical3A_192, %and3A_195], %broadcast_in_dim3A_29 {add = true} : memref<80x128xi32, #tpu.memory_space<vmem>>[vector<16xi32>, vector<16xi32>], vector<16xi32>,
      %get3A_196 = arith.constant 256 : index
      %get3A_197 = tpu.vector_load %arg9[%get3A_196] {strides = array<i32>} : memref<512xi32, #tpu.memory_space<vmem>>, vector<16xi32>,
      %shift_right_logical3A_198 = arith.constant 7 : i32
      %shift_right_logical3A_199 = vector.broadcast %shift_right_logical3A_198 : i32 to vector<16xi32>
      %shift_right_logical3A_200 = arith.shrui %get3A_197, %shift_right_logical3A_199 : vector<16xi32>
      %and3A_201 = arith.constant 127 : i32
      %and3A_202 = vector.broadcast %and3A_201 : i32 to vector<16xi32>
      %and3A_203 = arith.andi %get3A_197, %and3A_202 : vector<16xi32>
      tpu.vector_store_idx %arg8[%shift_right_logical3A_200, %and3A_203], %broadcast_in_dim3A_29 {add = true} : memref<80x128xi32, #tpu.memory_space<vmem>>[vector<16xi32>, vector<16xi32>], vector<16xi32>,
      %get3A_204 = arith.constant 272 : index
      %get3A_205 = tpu.vector_load %arg9[%get3A_204] {strides = array<i32>} : memref<512xi32, #tpu.memory_space<vmem>>, vector<16xi32>,
      %shift_right_logical3A_206 = arith.constant 7 : i32
      %shift_right_logical3A_207 = vector.broadcast %shift_right_logical3A_206 : i32 to vector<16xi32>
      %shift_right_logical3A_208 = arith.shrui %get3A_205, %shift_right_logical3A_207 : vector<16xi32>
      %and3A_209 = arith.constant 127 : i32
      %and3A_210 = vector.broadcast %and3A_209 : i32 to vector<16xi32>
      %and3A_211 = arith.andi %get3A_205, %and3A_210 : vector<16xi32>
      tpu.vector_store_idx %arg8[%shift_right_logical3A_208, %and3A_211], %broadcast_in_dim3A_29 {add = true} : memref<80x128xi32, #tpu.memory_space<vmem>>[vector<16xi32>, vector<16xi32>], vector<16xi32>,
      %get3A_212 = arith.constant 288 : index
      %get3A_213 = tpu.vector_load %arg9[%get3A_212] {strides = array<i32>} : memref<512xi32, #tpu.memory_space<vmem>>, vector<16xi32>,
      %shift_right_logical3A_214 = arith.constant 7 : i32
      %shift_right_logical3A_215 = vector.broadcast %shift_right_logical3A_214 : i32 to vector<16xi32>
      %shift_right_logical3A_216 = arith.shrui %get3A_213, %shift_right_logical3A_215 : vector<16xi32>
      %and3A_217 = arith.constant 127 : i32
      %and3A_218 = vector.broadcast %and3A_217 : i32 to vector<16xi32>
      %and3A_219 = arith.andi %get3A_213, %and3A_218 : vector<16xi32>
      tpu.vector_store_idx %arg8[%shift_right_logical3A_216, %and3A_219], %broadcast_in_dim3A_29 {add = true} : memref<80x128xi32, #tpu.memory_space<vmem>>[vector<16xi32>, vector<16xi32>], vector<16xi32>,
      %get3A_220 = arith.constant 304 : index
      %get3A_221 = tpu.vector_load %arg9[%get3A_220] {strides = array<i32>} : memref<512xi32, #tpu.memory_space<vmem>>, vector<16xi32>,
      %shift_right_logical3A_222 = arith.constant 7 : i32
      %shift_right_logical3A_223 = vector.broadcast %shift_right_logical3A_222 : i32 to vector<16xi32>
      %shift_right_logical3A_224 = arith.shrui %get3A_221, %shift_right_logical3A_223 : vector<16xi32>
      %and3A_225 = arith.constant 127 : i32
      %and3A_226 = vector.broadcast %and3A_225 : i32 to vector<16xi32>
      %and3A_227 = arith.andi %get3A_221, %and3A_226 : vector<16xi32>
      tpu.vector_store_idx %arg8[%shift_right_logical3A_224, %and3A_227], %broadcast_in_dim3A_29 {add = true} : memref<80x128xi32, #tpu.memory_space<vmem>>[vector<16xi32>, vector<16xi32>], vector<16xi32>,
      %get3A_228 = arith.constant 320 : index
      %get3A_229 = tpu.vector_load %arg9[%get3A_228] {strides = array<i32>} : memref<512xi32, #tpu.memory_space<vmem>>, vector<16xi32>,
      %shift_right_logical3A_230 = arith.constant 7 : i32
      %shift_right_logical3A_231 = vector.broadcast %shift_right_logical3A_230 : i32 to vector<16xi32>
      %shift_right_logical3A_232 = arith.shrui %get3A_229, %shift_right_logical3A_231 : vector<16xi32>
      %and3A_233 = arith.constant 127 : i32
      %and3A_234 = vector.broadcast %and3A_233 : i32 to vector<16xi32>
      %and3A_235 = arith.andi %get3A_229, %and3A_234 : vector<16xi32>
      tpu.vector_store_idx %arg8[%shift_right_logical3A_232, %and3A_235], %broadcast_in_dim3A_29 {add = true} : memref<80x128xi32, #tpu.memory_space<vmem>>[vector<16xi32>, vector<16xi32>], vector<16xi32>,
      %get3A_236 = arith.constant 336 : index
      %get3A_237 = tpu.vector_load %arg9[%get3A_236] {strides = array<i32>} : memref<512xi32, #tpu.memory_space<vmem>>, vector<16xi32>,
      %shift_right_logical3A_238 = arith.constant 7 : i32
      %shift_right_logical3A_239 = vector.broadcast %shift_right_logical3A_238 : i32 to vector<16xi32>
      %shift_right_logical3A_240 = arith.shrui %get3A_237, %shift_right_logical3A_239 : vector<16xi32>
      %and3A_241 = arith.constant 127 : i32
      %and3A_242 = vector.broadcast %and3A_241 : i32 to vector<16xi32>
      %and3A_243 = arith.andi %get3A_237, %and3A_242 : vector<16xi32>
      tpu.vector_store_idx %arg8[%shift_right_logical3A_240, %and3A_243], %broadcast_in_dim3A_29 {add = true} : memref<80x128xi32, #tpu.memory_space<vmem>>[vector<16xi32>, vector<16xi32>], vector<16xi32>,
      %get3A_244 = arith.constant 352 : index
      %get3A_245 = tpu.vector_load %arg9[%get3A_244] {strides = array<i32>} : memref<512xi32, #tpu.memory_space<vmem>>, vector<16xi32>,
      %shift_right_logical3A_246 = arith.constant 7 : i32
      %shift_right_logical3A_247 = vector.broadcast %shift_right_logical3A_246 : i32 to vector<16xi32>
      %shift_right_logical3A_248 = arith.shrui %get3A_245, %shift_right_logical3A_247 : vector<16xi32>
      %and3A_249 = arith.constant 127 : i32
      %and3A_250 = vector.broadcast %and3A_249 : i32 to vector<16xi32>
      %and3A_251 = arith.andi %get3A_245, %and3A_250 : vector<16xi32>
      tpu.vector_store_idx %arg8[%shift_right_logical3A_248, %and3A_251], %broadcast_in_dim3A_29 {add = true} : memref<80x128xi32, #tpu.memory_space<vmem>>[vector<16xi32>, vector<16xi32>], vector<16xi32>,
      %get3A_252 = arith.constant 368 : index
      %get3A_253 = tpu.vector_load %arg9[%get3A_252] {strides = array<i32>} : memref<512xi32, #tpu.memory_space<vmem>>, vector<16xi32>,
      %shift_right_logical3A_254 = arith.constant 7 : i32
      %shift_right_logical3A_255 = vector.broadcast %shift_right_logical3A_254 : i32 to vector<16xi32>
      %shift_right_logical3A_256 = arith.shrui %get3A_253, %shift_right_logical3A_255 : vector<16xi32>
      %and3A_257 = arith.constant 127 : i32
      %and3A_258 = vector.broadcast %and3A_257 : i32 to vector<16xi32>
      %and3A_259 = arith.andi %get3A_253, %and3A_258 : vector<16xi32>
      tpu.vector_store_idx %arg8[%shift_right_logical3A_256, %and3A_259], %broadcast_in_dim3A_29 {add = true} : memref<80x128xi32, #tpu.memory_space<vmem>>[vector<16xi32>, vector<16xi32>], vector<16xi32>,
      %get3A_260 = arith.constant 384 : index
      %get3A_261 = tpu.vector_load %arg9[%get3A_260] {strides = array<i32>} : memref<512xi32, #tpu.memory_space<vmem>>, vector<16xi32>,
      %shift_right_logical3A_262 = arith.constant 7 : i32
      %shift_right_logical3A_263 = vector.broadcast %shift_right_logical3A_262 : i32 to vector<16xi32>
      %shift_right_logical3A_264 = arith.shrui %get3A_261, %shift_right_logical3A_263 : vector<16xi32>
      %and3A_265 = arith.constant 127 : i32
      %and3A_266 = vector.broadcast %and3A_265 : i32 to vector<16xi32>
      %and3A_267 = arith.andi %get3A_261, %and3A_266 : vector<16xi32>
      tpu.vector_store_idx %arg8[%shift_right_logical3A_264, %and3A_267], %broadcast_in_dim3A_29 {add = true} : memref<80x128xi32, #tpu.memory_space<vmem>>[vector<16xi32>, vector<16xi32>], vector<16xi32>,
      %get3A_268 = arith.constant 400 : index
      %get3A_269 = tpu.vector_load %arg9[%get3A_268] {strides = array<i32>} : memref<512xi32, #tpu.memory_space<vmem>>, vector<16xi32>,
      %shift_right_logical3A_270 = arith.constant 7 : i32
      %shift_right_logical3A_271 = vector.broadcast %shift_right_logical3A_270 : i32 to vector<16xi32>
      %shift_right_logical3A_272 = arith.shrui %get3A_269, %shift_right_logical3A_271 : vector<16xi32>
      %and3A_273 = arith.constant 127 : i32
      %and3A_274 = vector.broadcast %and3A_273 : i32 to vector<16xi32>
      %and3A_275 = arith.andi %get3A_269, %and3A_274 : vector<16xi32>
      tpu.vector_store_idx %arg8[%shift_right_logical3A_272, %and3A_275], %broadcast_in_dim3A_29 {add = true} : memref<80x128xi32, #tpu.memory_space<vmem>>[vector<16xi32>, vector<16xi32>], vector<16xi32>,
      %get3A_276 = arith.constant 416 : index
      %get3A_277 = tpu.vector_load %arg9[%get3A_276] {strides = array<i32>} : memref<512xi32, #tpu.memory_space<vmem>>, vector<16xi32>,
      %shift_right_logical3A_278 = arith.constant 7 : i32
      %shift_right_logical3A_279 = vector.broadcast %shift_right_logical3A_278 : i32 to vector<16xi32>
      %shift_right_logical3A_280 = arith.shrui %get3A_277, %shift_right_logical3A_279 : vector<16xi32>
      %and3A_281 = arith.constant 127 : i32
      %and3A_282 = vector.broadcast %and3A_281 : i32 to vector<16xi32>
      %and3A_283 = arith.andi %get3A_277, %and3A_282 : vector<16xi32>
      tpu.vector_store_idx %arg8[%shift_right_logical3A_280, %and3A_283], %broadcast_in_dim3A_29 {add = true} : memref<80x128xi32, #tpu.memory_space<vmem>>[vector<16xi32>, vector<16xi32>], vector<16xi32>,
      %get3A_284 = arith.constant 432 : index
      %get3A_285 = tpu.vector_load %arg9[%get3A_284] {strides = array<i32>} : memref<512xi32, #tpu.memory_space<vmem>>, vector<16xi32>,
      %shift_right_logical3A_286 = arith.constant 7 : i32
      %shift_right_logical3A_287 = vector.broadcast %shift_right_logical3A_286 : i32 to vector<16xi32>
      %shift_right_logical3A_288 = arith.shrui %get3A_285, %shift_right_logical3A_287 : vector<16xi32>
      %and3A_289 = arith.constant 127 : i32
      %and3A_290 = vector.broadcast %and3A_289 : i32 to vector<16xi32>
      %and3A_291 = arith.andi %get3A_285, %and3A_290 : vector<16xi32>
      tpu.vector_store_idx %arg8[%shift_right_logical3A_288, %and3A_291], %broadcast_in_dim3A_29 {add = true} : memref<80x128xi32, #tpu.memory_space<vmem>>[vector<16xi32>, vector<16xi32>], vector<16xi32>,
      %get3A_292 = arith.constant 448 : index
      %get3A_293 = tpu.vector_load %arg9[%get3A_292] {strides = array<i32>} : memref<512xi32, #tpu.memory_space<vmem>>, vector<16xi32>,
      %shift_right_logical3A_294 = arith.constant 7 : i32
      %shift_right_logical3A_295 = vector.broadcast %shift_right_logical3A_294 : i32 to vector<16xi32>
      %shift_right_logical3A_296 = arith.shrui %get3A_293, %shift_right_logical3A_295 : vector<16xi32>
      %and3A_297 = arith.constant 127 : i32
      %and3A_298 = vector.broadcast %and3A_297 : i32 to vector<16xi32>
      %and3A_299 = arith.andi %get3A_293, %and3A_298 : vector<16xi32>
      tpu.vector_store_idx %arg8[%shift_right_logical3A_296, %and3A_299], %broadcast_in_dim3A_29 {add = true} : memref<80x128xi32, #tpu.memory_space<vmem>>[vector<16xi32>, vector<16xi32>], vector<16xi32>,
      %get3A_300 = arith.constant 464 : index
      %get3A_301 = tpu.vector_load %arg9[%get3A_300] {strides = array<i32>} : memref<512xi32, #tpu.memory_space<vmem>>, vector<16xi32>,
      %shift_right_logical3A_302 = arith.constant 7 : i32
      %shift_right_logical3A_303 = vector.broadcast %shift_right_logical3A_302 : i32 to vector<16xi32>
      %shift_right_logical3A_304 = arith.shrui %get3A_301, %shift_right_logical3A_303 : vector<16xi32>
      %and3A_305 = arith.constant 127 : i32
      %and3A_306 = vector.broadcast %and3A_305 : i32 to vector<16xi32>
      %and3A_307 = arith.andi %get3A_301, %and3A_306 : vector<16xi32>
      tpu.vector_store_idx %arg8[%shift_right_logical3A_304, %and3A_307], %broadcast_in_dim3A_29 {add = true} : memref<80x128xi32, #tpu.memory_space<vmem>>[vector<16xi32>, vector<16xi32>], vector<16xi32>,
      %get3A_308 = arith.constant 480 : index
      %get3A_309 = tpu.vector_load %arg9[%get3A_308] {strides = array<i32>} : memref<512xi32, #tpu.memory_space<vmem>>, vector<16xi32>,
      %shift_right_logical3A_310 = arith.constant 7 : i32
      %shift_right_logical3A_311 = vector.broadcast %shift_right_logical3A_310 : i32 to vector<16xi32>
      %shift_right_logical3A_312 = arith.shrui %get3A_309, %shift_right_logical3A_311 : vector<16xi32>
      %and3A_313 = arith.constant 127 : i32
      %and3A_314 = vector.broadcast %and3A_313 : i32 to vector<16xi32>
      %and3A_315 = arith.andi %get3A_309, %and3A_314 : vector<16xi32>
      tpu.vector_store_idx %arg8[%shift_right_logical3A_312, %and3A_315], %broadcast_in_dim3A_29 {add = true} : memref<80x128xi32, #tpu.memory_space<vmem>>[vector<16xi32>, vector<16xi32>], vector<16xi32>,
      %get3A_316 = arith.constant 496 : index
      %get3A_317 = tpu.vector_load %arg9[%get3A_316] {strides = array<i32>} : memref<512xi32, #tpu.memory_space<vmem>>, vector<16xi32>,
      %shift_right_logical3A_318 = arith.constant 7 : i32
      %shift_right_logical3A_319 = vector.broadcast %shift_right_logical3A_318 : i32 to vector<16xi32>
      %shift_right_logical3A_320 = arith.shrui %get3A_317, %shift_right_logical3A_319 : vector<16xi32>
      %and3A_321 = arith.constant 127 : i32
      %and3A_322 = vector.broadcast %and3A_321 : i32 to vector<16xi32>
      %and3A_323 = arith.andi %get3A_317, %and3A_322 : vector<16xi32>
      tpu.vector_store_idx %arg8[%shift_right_logical3A_320, %and3A_323], %broadcast_in_dim3A_29 {add = true} : memref<80x128xi32, #tpu.memory_space<vmem>>[vector<16xi32>, vector<16xi32>], vector<16xi32>,
    }
    %scan3A_34 = arith.constant 20 : i32
    %barrier3A = arith.constant 0 : index
    tpu.barrier barrier_id(%barrier3A)
    "tpu.region"() ({
      %run_scoped3A = tpu.sem_alloc : memref<!tpu.dma_semaphore, #tpu.memory_space<semaphore_mem>>
      %dma_start3A = arith.constant 0 : i32
      %dma_start3A_52 = arith.constant 0 : i32
      %dma_start3A_53 = tpu.memref_slice %arg7[%dma_start3A, %dma_start3A_52] : memref<80x128xi32, #tpu.memory_space<vmem_shared>> -> memref<80x128xi32, #tpu.memory_space<vmem_shared>>
      tpu.enqueue_indirect_dma source(%arg8 : memref<80x128xi32, #tpu.memory_space<vmem>>) target(%dma_start3A_53 : memref<80x128xi32, #tpu.memory_space<vmem_shared>>) offsets(%arg10 : memref<80xi32, #tpu.memory_space<vmem>>) semaphore(%run_scoped3A : memref<!tpu.dma_semaphore, #tpu.memory_space<semaphore_mem>>) {add = true}
      %dma_wait3A = arith.constant 0 : i32
      %dma_wait3A_54 = arith.constant 0 : i32
      %dma_wait3A_55 = tpu.memref_slice %arg7[%dma_wait3A, %dma_wait3A_54] : memref<80x128xi32, #tpu.memory_space<vmem_shared>> -> memref<80x128xi32, #tpu.memory_space<vmem_shared>>
      tpu.wait_indirect_dma semaphore(%run_scoped3A : memref<!tpu.dma_semaphore, #tpu.memory_space<semaphore_mem>>) src(%arg8 : memref<80x128xi32, #tpu.memory_space<vmem>>) dst(%dma_wait3A_55 : memref<80x128xi32, #tpu.memory_space<vmem_shared>>)
      tpu.yield
    }) : () -> ()
    %barrier3A_35 = arith.constant 0 : index
    tpu.barrier barrier_id(%barrier3A_35)
    %mul3A_36 = arith.constant 8 : i32
    %mul3A_37 = arith.muli %arg1, %mul3A_36 : i32
    %eq3A_38 = arith.constant 0 : i32
    %eq3A_39 = arith.cmpi eq, %arg0, %eq3A_38 : i32
    %lt3A = arith.constant 10 : i32
    %lt3A_40 = arith.cmpi slt, %arg1, %lt3A : i32
    %and3A = arith.andi %eq3A_39, %lt3A_40 : i1
    %convert_element_type3A_41 = arith.extui %and3A : i1 to i32
    %cond3A_42 = arith.constant 0 : i32
    %cond3A_43 = arith.cmpi ne, %convert_element_type3A_41, %cond3A_42 : i32
    scf.if %cond3A_43 {
      "tpu.region"() ({
        %run_scoped3A = tpu.sem_alloc : memref<!tpu.dma_semaphore, #tpu.memory_space<semaphore_mem>>
        %dma_start3A = arith.constant 0 : i32
        %dma_start3A_52 = tpu.memref_slice %arg5[%mul3A_37, %dma_start3A] : memref<80x128xi32, #tpu.memory_space<hbm>> -> memref<8x128xi32, #tpu.memory_space<hbm>>
        %dma_start3A_53 = arith.constant 0 : i32
        %dma_start3A_54 = tpu.memref_slice %arg7[%mul3A_37, %dma_start3A_53] : memref<80x128xi32, #tpu.memory_space<vmem_shared>> -> memref<8x128xi32, #tpu.memory_space<vmem_shared>>
        tpu.enqueue_dma source(%dma_start3A_54 : memref<8x128xi32, #tpu.memory_space<vmem_shared>>) target(%dma_start3A_52 : memref<8x128xi32, #tpu.memory_space<hbm>>) target_semaphore(%run_scoped3A : memref<!tpu.dma_semaphore, #tpu.memory_space<semaphore_mem>>)
        %dma_wait3A = arith.constant 0 : i32
        %dma_wait3A_55 = tpu.memref_slice %arg5[%mul3A_37, %dma_wait3A] : memref<80x128xi32, #tpu.memory_space<hbm>> -> memref<8x128xi32, #tpu.memory_space<hbm>>
        %dma_wait3A_56 = arith.constant 0 : i32
        %dma_wait3A_57 = tpu.memref_slice %arg7[%mul3A_37, %dma_wait3A_56] : memref<80x128xi32, #tpu.memory_space<vmem_shared>> -> memref<8x128xi32, #tpu.memory_space<vmem_shared>>
        tpu.wait_dma2 semaphore(%run_scoped3A : memref<!tpu.dma_semaphore, #tpu.memory_space<semaphore_mem>>) src(%dma_wait3A_57 : memref<8x128xi32, #tpu.memory_space<vmem_shared>>) dst(%dma_wait3A_55 : memref<8x128xi32, #tpu.memory_space<hbm>>)
        tpu.yield
      }) : () -> ()
    } else {
    }
    %eq3A_44 = arith.constant 1 : i32
    %eq3A_45 = arith.cmpi eq, %arg0, %eq3A_44 : i32
    %lt3A_46 = arith.constant 10 : i32
    %lt3A_47 = arith.cmpi slt, %arg1, %lt3A_46 : i32
    %and3A_48 = arith.andi %eq3A_45, %lt3A_47 : i1
    %convert_element_type3A_49 = arith.extui %and3A_48 : i1 to i32
    %cond3A_50 = arith.constant 0 : i32
    %cond3A_51 = arith.cmpi ne, %convert_element_type3A_49, %cond3A_50 : i32
    scf.if %cond3A_51 {
      "tpu.region"() ({
        %run_scoped3A = tpu.sem_alloc : memref<!tpu.dma_semaphore, #tpu.memory_space<semaphore_mem>>
        %dma_start3A = arith.constant 0 : i32
        %dma_start3A_52 = tpu.memref_slice %arg6[%mul3A_37, %dma_start3A] : memref<80x128xi32, #tpu.memory_space<hbm>> -> memref<8x128xi32, #tpu.memory_space<hbm>>
        %dma_start3A_53 = arith.constant 0 : i32
        %dma_start3A_54 = tpu.memref_slice %arg7[%mul3A_37, %dma_start3A_53] : memref<80x128xi32, #tpu.memory_space<vmem_shared>> -> memref<8x128xi32, #tpu.memory_space<vmem_shared>>
        tpu.enqueue_dma source(%dma_start3A_54 : memref<8x128xi32, #tpu.memory_space<vmem_shared>>) target(%dma_start3A_52 : memref<8x128xi32, #tpu.memory_space<hbm>>) target_semaphore(%run_scoped3A : memref<!tpu.dma_semaphore, #tpu.memory_space<semaphore_mem>>)
        %dma_wait3A = arith.constant 0 : i32
        %dma_wait3A_55 = tpu.memref_slice %arg6[%mul3A_37, %dma_wait3A] : memref<80x128xi32, #tpu.memory_space<hbm>> -> memref<8x128xi32, #tpu.memory_space<hbm>>
        %dma_wait3A_56 = arith.constant 0 : i32
        %dma_wait3A_57 = tpu.memref_slice %arg7[%mul3A_37, %dma_wait3A_56] : memref<80x128xi32, #tpu.memory_space<vmem_shared>> -> memref<8x128xi32, #tpu.memory_space<vmem_shared>>
        tpu.wait_dma2 semaphore(%run_scoped3A : memref<!tpu.dma_semaphore, #tpu.memory_space<semaphore_mem>>) src(%dma_wait3A_57 : memref<8x128xi32, #tpu.memory_space<vmem_shared>>) dst(%dma_wait3A_55 : memref<8x128xi32, #tpu.memory_space<hbm>>)
        tpu.yield
      }) : () -> ()
    } else {
    }
    return
  }
}

#map = affine_map<(d0, d1) -> (0)>
#map1 = affine_map<(d0, d1) -> (0, 0)>
module attributes {stable_mosaic.version = 14 : i64} {
  func.func @scatter_kernel(%arg0: i32, %arg1: i32, %arg2: memref<163840xi32, #tpu.memory_space<hbm>>, %arg3: memref<163840xi32, #tpu.memory_space<hbm>>, %arg4: memref<20480x128xf32, #tpu.memory_space<hbm>>, %arg5: memref<10240x128xf32, #tpu.memory_space<hbm>>, %arg6: memref<20480x128xf32, #tpu.memory_space<hbm>>, %arg7: memref<10240x128xf32, #tpu.memory_space<vmem_shared>>, %arg8: memref<160xi32, #tpu.memory_space<vmem>>, %arg9: memref<160xi32, #tpu.memory_space<vmem>>, %arg10: memref<160xi32, #tpu.memory_space<vmem>>, %arg11: memref<160xi32, #tpu.memory_space<vmem>>, %arg12: memref<160xi32, #tpu.memory_space<vmem>>, %arg13: memref<160xi32, #tpu.memory_space<vmem>>, %arg14: memref<160x128xf32, #tpu.memory_space<vmem>>, %arg15: memref<160x128xf32, #tpu.memory_space<vmem>>, %arg16: memref<!tpu.dma_semaphore, #tpu.memory_space<semaphore_mem>>, %arg17: memref<!tpu.dma_semaphore, #tpu.memory_space<semaphore_mem>>, %arg18: memref<!tpu.dma_semaphore, #tpu.memory_space<semaphore_mem>>, %arg19: memref<!tpu.dma_semaphore, #tpu.memory_space<semaphore_mem>>, %arg20: memref<!tpu.dma_semaphore, #tpu.memory_space<semaphore_mem>>, %arg21: memref<!tpu.dma_semaphore, #tpu.memory_space<semaphore_mem>>, %arg22: memref<!tpu.dma_semaphore, #tpu.memory_space<semaphore_mem>>, %arg23: memref<!tpu.dma_semaphore, #tpu.memory_space<semaphore_mem>>) attributes {dimension_semantics = [#tpu.dimension_semantics<core_parallel>, #tpu.dimension_semantics<subcore_parallel>], iteration_bounds = array<i64: 2, 16>, scalar_prefetch = 0 : i64, scratch_operands = 17 : i64, tpu.core_type = #tpu.core_type<sc_vector_subcore>, window_params = [{transform_indices = #map}, {transform_indices = #map}, {transform_indices = #map1}, {transform_indices = #map1}, {transform_indices = #map1}]} {
    %mul3A = arith.constant 640 : i32
    %mul3A_0 = arith.muli %arg1, %mul3A : i32
    "tpu.region"() ({
      %run_scoped3A = tpu.sem_alloc : memref<!tpu.dma_semaphore, #tpu.memory_space<semaphore_mem>>
      %dma_start3A_380 = arith.constant 0 : i32
      %dma_start3A_381 = tpu.memref_slice %arg7[%mul3A_0, %dma_start3A_380] : memref<10240x128xf32, #tpu.memory_space<vmem_shared>> -> memref<640x128xf32, #tpu.memory_space<vmem_shared>>
      %dma_start3A_382 = arith.constant 0 : i32
      %dma_start3A_383 = tpu.memref_slice %arg5[%mul3A_0, %dma_start3A_382] : memref<10240x128xf32, #tpu.memory_space<hbm>> -> memref<640x128xf32, #tpu.memory_space<hbm>>
      tpu.enqueue_dma source(%dma_start3A_383 : memref<640x128xf32, #tpu.memory_space<hbm>>) target(%dma_start3A_381 : memref<640x128xf32, #tpu.memory_space<vmem_shared>>) target_semaphore(%run_scoped3A : memref<!tpu.dma_semaphore, #tpu.memory_space<semaphore_mem>>)
      %dma_wait3A_384 = arith.constant 0 : i32
      %dma_wait3A_385 = tpu.memref_slice %arg7[%mul3A_0, %dma_wait3A_384] : memref<10240x128xf32, #tpu.memory_space<vmem_shared>> -> memref<640x128xf32, #tpu.memory_space<vmem_shared>>
      %dma_wait3A_386 = arith.constant 0 : i32
      %dma_wait3A_387 = tpu.memref_slice %arg5[%mul3A_0, %dma_wait3A_386] : memref<10240x128xf32, #tpu.memory_space<hbm>> -> memref<640x128xf32, #tpu.memory_space<hbm>>
      tpu.wait_dma2 semaphore(%run_scoped3A : memref<!tpu.dma_semaphore, #tpu.memory_space<semaphore_mem>>) src(%dma_wait3A_387 : memref<640x128xf32, #tpu.memory_space<hbm>>) dst(%dma_wait3A_385 : memref<640x128xf32, #tpu.memory_space<vmem_shared>>)
      tpu.yield
    }) : () -> ()
    %barrier3A = arith.constant 0 : index
    tpu.barrier barrier_id(%barrier3A)
    %mul3A_1 = arith.constant 10240 : i32
    %mul3A_2 = arith.muli %arg1, %mul3A_1 : i32
    %mul3A_3 = arith.constant 10240 : i32
    %mul3A_4 = arith.muli %arg0, %mul3A_3 : i32
    %add3A = arith.constant 0 : i32
    %add3A_5 = arith.addi %mul3A_2, %add3A : i32
    %dma_start3A = tpu.memref_slice %arg2[%add3A_5] : memref<163840xi32, #tpu.memory_space<hbm>> -> memref<160xi32, #tpu.memory_space<hbm>>
    %dma_start3A_6 = tpu.memref_slice %arg2[%add3A_5] : memref<163840xi32, #tpu.memory_space<hbm>> -> memref<160xi32, #tpu.memory_space<hbm>>
    tpu.enqueue_dma source(%dma_start3A_6 : memref<160xi32, #tpu.memory_space<hbm>>) target(%arg8 : memref<160xi32, #tpu.memory_space<vmem>>) target_semaphore(%arg16 : memref<!tpu.dma_semaphore, #tpu.memory_space<semaphore_mem>>)
    %dma_start3A_7 = tpu.memref_slice %arg3[%add3A_5] : memref<163840xi32, #tpu.memory_space<hbm>> -> memref<160xi32, #tpu.memory_space<hbm>>
    %dma_start3A_8 = tpu.memref_slice %arg3[%add3A_5] : memref<163840xi32, #tpu.memory_space<hbm>> -> memref<160xi32, #tpu.memory_space<hbm>>
    tpu.enqueue_dma source(%dma_start3A_8 : memref<160xi32, #tpu.memory_space<hbm>>) target(%arg10 : memref<160xi32, #tpu.memory_space<vmem>>) target_semaphore(%arg18 : memref<!tpu.dma_semaphore, #tpu.memory_space<semaphore_mem>>)
    %add3A_9 = arith.constant 160 : i32
    %add3A_10 = arith.addi %mul3A_2, %add3A_9 : i32
    %dma_start3A_11 = tpu.memref_slice %arg2[%add3A_10] : memref<163840xi32, #tpu.memory_space<hbm>> -> memref<160xi32, #tpu.memory_space<hbm>>
    %dma_start3A_12 = tpu.memref_slice %arg2[%add3A_10] : memref<163840xi32, #tpu.memory_space<hbm>> -> memref<160xi32, #tpu.memory_space<hbm>>
    tpu.enqueue_dma source(%dma_start3A_12 : memref<160xi32, #tpu.memory_space<hbm>>) target(%arg9 : memref<160xi32, #tpu.memory_space<vmem>>) target_semaphore(%arg17 : memref<!tpu.dma_semaphore, #tpu.memory_space<semaphore_mem>>)
    %dma_start3A_13 = tpu.memref_slice %arg3[%add3A_10] : memref<163840xi32, #tpu.memory_space<hbm>> -> memref<160xi32, #tpu.memory_space<hbm>>
    %dma_start3A_14 = tpu.memref_slice %arg3[%add3A_10] : memref<163840xi32, #tpu.memory_space<hbm>> -> memref<160xi32, #tpu.memory_space<hbm>>
    tpu.enqueue_dma source(%dma_start3A_14 : memref<160xi32, #tpu.memory_space<hbm>>) target(%arg11 : memref<160xi32, #tpu.memory_space<vmem>>) target_semaphore(%arg19 : memref<!tpu.dma_semaphore, #tpu.memory_space<semaphore_mem>>)
    %add3A_15 = arith.constant 0 : i32
    %add3A_16 = arith.addi %mul3A_2, %add3A_15 : i32
    %dma_wait3A = tpu.memref_slice %arg2[%add3A_16] : memref<163840xi32, #tpu.memory_space<hbm>> -> memref<160xi32, #tpu.memory_space<hbm>>
    %dma_wait3A_17 = tpu.memref_slice %arg2[%add3A_16] : memref<163840xi32, #tpu.memory_space<hbm>> -> memref<160xi32, #tpu.memory_space<hbm>>
    tpu.wait_dma2 semaphore(%arg16 : memref<!tpu.dma_semaphore, #tpu.memory_space<semaphore_mem>>) src(%dma_wait3A_17 : memref<160xi32, #tpu.memory_space<hbm>>) dst(%arg8 : memref<160xi32, #tpu.memory_space<vmem>>)
    %dma_wait3A_18 = tpu.memref_slice %arg3[%add3A_16] : memref<163840xi32, #tpu.memory_space<hbm>> -> memref<160xi32, #tpu.memory_space<hbm>>
    %dma_wait3A_19 = tpu.memref_slice %arg3[%add3A_16] : memref<163840xi32, #tpu.memory_space<hbm>> -> memref<160xi32, #tpu.memory_space<hbm>>
    tpu.wait_dma2 semaphore(%arg18 : memref<!tpu.dma_semaphore, #tpu.memory_space<semaphore_mem>>) src(%dma_wait3A_19 : memref<160xi32, #tpu.memory_space<hbm>>) dst(%arg10 : memref<160xi32, #tpu.memory_space<vmem>>)
    %get3A = arith.constant 0 : index
    %get3A_20 = tpu.vector_load %arg8[%get3A] {strides = array<i32>} : memref<160xi32, #tpu.memory_space<vmem>>, vector<16xi32>,
    %get3A_21 = vector.shape_cast %get3A_20 : vector<16xi32> to vector<16xi32>
    %add3A_22 = vector.broadcast %mul3A_4 : i32 to vector<16xi32>
    %add3A_23 = arith.addi %get3A_21, %add3A_22 : vector<16xi32>
    %swap3A = arith.constant 0 : index
    %swap3A_24 = tpu.vector_load %arg8[%swap3A] {strides = array<i32>} : memref<160xi32, #tpu.memory_space<vmem>>, vector<16xi32>,
    %swap3A_25 = vector.shape_cast %swap3A_24 : vector<16xi32> to vector<16xi32>
    %swap3A_26 = vector.shape_cast %add3A_23 : vector<16xi32> to vector<16xi32>
    tpu.vector_store %arg8[%swap3A], %swap3A_26 {strides = array<i32>} : memref<160xi32, #tpu.memory_space<vmem>>, vector<16xi32>,
    %get3A_27 = arith.constant 0 : index
    %get3A_28 = tpu.vector_load %arg10[%get3A_27] {strides = array<i32>} : memref<160xi32, #tpu.memory_space<vmem>>, vector<16xi32>,
    %get3A_29 = vector.shape_cast %get3A_28 : vector<16xi32> to vector<16xi32>
    %swap3A_30 = arith.constant 0 : index
    %swap3A_31 = tpu.vector_load %arg12[%swap3A_30] {strides = array<i32>} : memref<160xi32, #tpu.memory_space<vmem>>, vector<16xi32>,
    %swap3A_32 = vector.shape_cast %swap3A_31 : vector<16xi32> to vector<16xi32>
    %swap3A_33 = vector.shape_cast %get3A_29 : vector<16xi32> to vector<16xi32>
    tpu.vector_store %arg12[%swap3A_30], %swap3A_33 {strides = array<i32>} : memref<160xi32, #tpu.memory_space<vmem>>, vector<16xi32>,
    %get3A_34 = arith.constant 16 : index
    %get3A_35 = tpu.vector_load %arg8[%get3A_34] {strides = array<i32>} : memref<160xi32, #tpu.memory_space<vmem>>, vector<16xi32>,
    %get3A_36 = vector.shape_cast %get3A_35 : vector<16xi32> to vector<16xi32>
    %add3A_37 = vector.broadcast %mul3A_4 : i32 to vector<16xi32>
    %add3A_38 = arith.addi %get3A_36, %add3A_37 : vector<16xi32>
    %swap3A_39 = arith.constant 16 : index
    %swap3A_40 = tpu.vector_load %arg8[%swap3A_39] {strides = array<i32>} : memref<160xi32, #tpu.memory_space<vmem>>, vector<16xi32>,
    %swap3A_41 = vector.shape_cast %swap3A_40 : vector<16xi32> to vector<16xi32>
    %swap3A_42 = vector.shape_cast %add3A_38 : vector<16xi32> to vector<16xi32>
    tpu.vector_store %arg8[%swap3A_39], %swap3A_42 {strides = array<i32>} : memref<160xi32, #tpu.memory_space<vmem>>, vector<16xi32>,
    %get3A_43 = arith.constant 16 : index
    %get3A_44 = tpu.vector_load %arg10[%get3A_43] {strides = array<i32>} : memref<160xi32, #tpu.memory_space<vmem>>, vector<16xi32>,
    %get3A_45 = vector.shape_cast %get3A_44 : vector<16xi32> to vector<16xi32>
    %swap3A_46 = arith.constant 16 : index
    %swap3A_47 = tpu.vector_load %arg12[%swap3A_46] {strides = array<i32>} : memref<160xi32, #tpu.memory_space<vmem>>, vector<16xi32>,
    %swap3A_48 = vector.shape_cast %swap3A_47 : vector<16xi32> to vector<16xi32>
    %swap3A_49 = vector.shape_cast %get3A_45 : vector<16xi32> to vector<16xi32>
    tpu.vector_store %arg12[%swap3A_46], %swap3A_49 {strides = array<i32>} : memref<160xi32, #tpu.memory_space<vmem>>, vector<16xi32>,
    %get3A_50 = arith.constant 32 : index
    %get3A_51 = tpu.vector_load %arg8[%get3A_50] {strides = array<i32>} : memref<160xi32, #tpu.memory_space<vmem>>, vector<16xi32>,
    %get3A_52 = vector.shape_cast %get3A_51 : vector<16xi32> to vector<16xi32>
    %add3A_53 = vector.broadcast %mul3A_4 : i32 to vector<16xi32>
    %add3A_54 = arith.addi %get3A_52, %add3A_53 : vector<16xi32>
    %swap3A_55 = arith.constant 32 : index
    %swap3A_56 = tpu.vector_load %arg8[%swap3A_55] {strides = array<i32>} : memref<160xi32, #tpu.memory_space<vmem>>, vector<16xi32>,
    %swap3A_57 = vector.shape_cast %swap3A_56 : vector<16xi32> to vector<16xi32>
    %swap3A_58 = vector.shape_cast %add3A_54 : vector<16xi32> to vector<16xi32>
    tpu.vector_store %arg8[%swap3A_55], %swap3A_58 {strides = array<i32>} : memref<160xi32, #tpu.memory_space<vmem>>, vector<16xi32>,
    %get3A_59 = arith.constant 32 : index
    %get3A_60 = tpu.vector_load %arg10[%get3A_59] {strides = array<i32>} : memref<160xi32, #tpu.memory_space<vmem>>, vector<16xi32>,
    %get3A_61 = vector.shape_cast %get3A_60 : vector<16xi32> to vector<16xi32>
    %swap3A_62 = arith.constant 32 : index
    %swap3A_63 = tpu.vector_load %arg12[%swap3A_62] {strides = array<i32>} : memref<160xi32, #tpu.memory_space<vmem>>, vector<16xi32>,
    %swap3A_64 = vector.shape_cast %swap3A_63 : vector<16xi32> to vector<16xi32>
    %swap3A_65 = vector.shape_cast %get3A_61 : vector<16xi32> to vector<16xi32>
    tpu.vector_store %arg12[%swap3A_62], %swap3A_65 {strides = array<i32>} : memref<160xi32, #tpu.memory_space<vmem>>, vector<16xi32>,
    %get3A_66 = arith.constant 48 : index
    %get3A_67 = tpu.vector_load %arg8[%get3A_66] {strides = array<i32>} : memref<160xi32, #tpu.memory_space<vmem>>, vector<16xi32>,
    %get3A_68 = vector.shape_cast %get3A_67 : vector<16xi32> to vector<16xi32>
    %add3A_69 = vector.broadcast %mul3A_4 : i32 to vector<16xi32>
    %add3A_70 = arith.addi %get3A_68, %add3A_69 : vector<16xi32>
    %swap3A_71 = arith.constant 48 : index
    %swap3A_72 = tpu.vector_load %arg8[%swap3A_71] {strides = array<i32>} : memref<160xi32, #tpu.memory_space<vmem>>, vector<16xi32>,
    %swap3A_73 = vector.shape_cast %swap3A_72 : vector<16xi32> to vector<16xi32>
    %swap3A_74 = vector.shape_cast %add3A_70 : vector<16xi32> to vector<16xi32>
    tpu.vector_store %arg8[%swap3A_71], %swap3A_74 {strides = array<i32>} : memref<160xi32, #tpu.memory_space<vmem>>, vector<16xi32>,
    %get3A_75 = arith.constant 48 : index
    %get3A_76 = tpu.vector_load %arg10[%get3A_75] {strides = array<i32>} : memref<160xi32, #tpu.memory_space<vmem>>, vector<16xi32>,
    %get3A_77 = vector.shape_cast %get3A_76 : vector<16xi32> to vector<16xi32>
    %swap3A_78 = arith.constant 48 : index
    %swap3A_79 = tpu.vector_load %arg12[%swap3A_78] {strides = array<i32>} : memref<160xi32, #tpu.memory_space<vmem>>, vector<16xi32>,
    %swap3A_80 = vector.shape_cast %swap3A_79 : vector<16xi32> to vector<16xi32>
    %swap3A_81 = vector.shape_cast %get3A_77 : vector<16xi32> to vector<16xi32>
    tpu.vector_store %arg12[%swap3A_78], %swap3A_81 {strides = array<i32>} : memref<160xi32, #tpu.memory_space<vmem>>, vector<16xi32>,
    %get3A_82 = arith.constant 64 : index
    %get3A_83 = tpu.vector_load %arg8[%get3A_82] {strides = array<i32>} : memref<160xi32, #tpu.memory_space<vmem>>, vector<16xi32>,
    %get3A_84 = vector.shape_cast %get3A_83 : vector<16xi32> to vector<16xi32>
    %add3A_85 = vector.broadcast %mul3A_4 : i32 to vector<16xi32>
    %add3A_86 = arith.addi %get3A_84, %add3A_85 : vector<16xi32>
    %swap3A_87 = arith.constant 64 : index
    %swap3A_88 = tpu.vector_load %arg8[%swap3A_87] {strides = array<i32>} : memref<160xi32, #tpu.memory_space<vmem>>, vector<16xi32>,
    %swap3A_89 = vector.shape_cast %swap3A_88 : vector<16xi32> to vector<16xi32>
    %swap3A_90 = vector.shape_cast %add3A_86 : vector<16xi32> to vector<16xi32>
    tpu.vector_store %arg8[%swap3A_87], %swap3A_90 {strides = array<i32>} : memref<160xi32, #tpu.memory_space<vmem>>, vector<16xi32>,
    %get3A_91 = arith.constant 64 : index
    %get3A_92 = tpu.vector_load %arg10[%get3A_91] {strides = array<i32>} : memref<160xi32, #tpu.memory_space<vmem>>, vector<16xi32>,
    %get3A_93 = vector.shape_cast %get3A_92 : vector<16xi32> to vector<16xi32>
    %swap3A_94 = arith.constant 64 : index
    %swap3A_95 = tpu.vector_load %arg12[%swap3A_94] {strides = array<i32>} : memref<160xi32, #tpu.memory_space<vmem>>, vector<16xi32>,
    %swap3A_96 = vector.shape_cast %swap3A_95 : vector<16xi32> to vector<16xi32>
    %swap3A_97 = vector.shape_cast %get3A_93 : vector<16xi32> to vector<16xi32>
    tpu.vector_store %arg12[%swap3A_94], %swap3A_97 {strides = array<i32>} : memref<160xi32, #tpu.memory_space<vmem>>, vector<16xi32>,
    %get3A_98 = arith.constant 80 : index
    %get3A_99 = tpu.vector_load %arg8[%get3A_98] {strides = array<i32>} : memref<160xi32, #tpu.memory_space<vmem>>, vector<16xi32>,
    %get3A_100 = vector.shape_cast %get3A_99 : vector<16xi32> to vector<16xi32>
    %add3A_101 = vector.broadcast %mul3A_4 : i32 to vector<16xi32>
    %add3A_102 = arith.addi %get3A_100, %add3A_101 : vector<16xi32>
    %swap3A_103 = arith.constant 80 : index
    %swap3A_104 = tpu.vector_load %arg8[%swap3A_103] {strides = array<i32>} : memref<160xi32, #tpu.memory_space<vmem>>, vector<16xi32>,
    %swap3A_105 = vector.shape_cast %swap3A_104 : vector<16xi32> to vector<16xi32>
    %swap3A_106 = vector.shape_cast %add3A_102 : vector<16xi32> to vector<16xi32>
    tpu.vector_store %arg8[%swap3A_103], %swap3A_106 {strides = array<i32>} : memref<160xi32, #tpu.memory_space<vmem>>, vector<16xi32>,
    %get3A_107 = arith.constant 80 : index
    %get3A_108 = tpu.vector_load %arg10[%get3A_107] {strides = array<i32>} : memref<160xi32, #tpu.memory_space<vmem>>, vector<16xi32>,
    %get3A_109 = vector.shape_cast %get3A_108 : vector<16xi32> to vector<16xi32>
    %swap3A_110 = arith.constant 80 : index
    %swap3A_111 = tpu.vector_load %arg12[%swap3A_110] {strides = array<i32>} : memref<160xi32, #tpu.memory_space<vmem>>, vector<16xi32>,
    %swap3A_112 = vector.shape_cast %swap3A_111 : vector<16xi32> to vector<16xi32>
    %swap3A_113 = vector.shape_cast %get3A_109 : vector<16xi32> to vector<16xi32>
    tpu.vector_store %arg12[%swap3A_110], %swap3A_113 {strides = array<i32>} : memref<160xi32, #tpu.memory_space<vmem>>, vector<16xi32>,
    %get3A_114 = arith.constant 96 : index
    %get3A_115 = tpu.vector_load %arg8[%get3A_114] {strides = array<i32>} : memref<160xi32, #tpu.memory_space<vmem>>, vector<16xi32>,
    %get3A_116 = vector.shape_cast %get3A_115 : vector<16xi32> to vector<16xi32>
    %add3A_117 = vector.broadcast %mul3A_4 : i32 to vector<16xi32>
    %add3A_118 = arith.addi %get3A_116, %add3A_117 : vector<16xi32>
    %swap3A_119 = arith.constant 96 : index
    %swap3A_120 = tpu.vector_load %arg8[%swap3A_119] {strides = array<i32>} : memref<160xi32, #tpu.memory_space<vmem>>, vector<16xi32>,
    %swap3A_121 = vector.shape_cast %swap3A_120 : vector<16xi32> to vector<16xi32>
    %swap3A_122 = vector.shape_cast %add3A_118 : vector<16xi32> to vector<16xi32>
    tpu.vector_store %arg8[%swap3A_119], %swap3A_122 {strides = array<i32>} : memref<160xi32, #tpu.memory_space<vmem>>, vector<16xi32>,
    %get3A_123 = arith.constant 96 : index
    %get3A_124 = tpu.vector_load %arg10[%get3A_123] {strides = array<i32>} : memref<160xi32, #tpu.memory_space<vmem>>, vector<16xi32>,
    %get3A_125 = vector.shape_cast %get3A_124 : vector<16xi32> to vector<16xi32>
    %swap3A_126 = arith.constant 96 : index
    %swap3A_127 = tpu.vector_load %arg12[%swap3A_126] {strides = array<i32>} : memref<160xi32, #tpu.memory_space<vmem>>, vector<16xi32>,
    %swap3A_128 = vector.shape_cast %swap3A_127 : vector<16xi32> to vector<16xi32>
    %swap3A_129 = vector.shape_cast %get3A_125 : vector<16xi32> to vector<16xi32>
    tpu.vector_store %arg12[%swap3A_126], %swap3A_129 {strides = array<i32>} : memref<160xi32, #tpu.memory_space<vmem>>, vector<16xi32>,
    %get3A_130 = arith.constant 112 : index
    %get3A_131 = tpu.vector_load %arg8[%get3A_130] {strides = array<i32>} : memref<160xi32, #tpu.memory_space<vmem>>, vector<16xi32>,
    %get3A_132 = vector.shape_cast %get3A_131 : vector<16xi32> to vector<16xi32>
    %add3A_133 = vector.broadcast %mul3A_4 : i32 to vector<16xi32>
    %add3A_134 = arith.addi %get3A_132, %add3A_133 : vector<16xi32>
    %swap3A_135 = arith.constant 112 : index
    %swap3A_136 = tpu.vector_load %arg8[%swap3A_135] {strides = array<i32>} : memref<160xi32, #tpu.memory_space<vmem>>, vector<16xi32>,
    %swap3A_137 = vector.shape_cast %swap3A_136 : vector<16xi32> to vector<16xi32>
    %swap3A_138 = vector.shape_cast %add3A_134 : vector<16xi32> to vector<16xi32>
    tpu.vector_store %arg8[%swap3A_135], %swap3A_138 {strides = array<i32>} : memref<160xi32, #tpu.memory_space<vmem>>, vector<16xi32>,
    %get3A_139 = arith.constant 112 : index
    %get3A_140 = tpu.vector_load %arg10[%get3A_139] {strides = array<i32>} : memref<160xi32, #tpu.memory_space<vmem>>, vector<16xi32>,
    %get3A_141 = vector.shape_cast %get3A_140 : vector<16xi32> to vector<16xi32>
    %swap3A_142 = arith.constant 112 : index
    %swap3A_143 = tpu.vector_load %arg12[%swap3A_142] {strides = array<i32>} : memref<160xi32, #tpu.memory_space<vmem>>, vector<16xi32>,
    %swap3A_144 = vector.shape_cast %swap3A_143 : vector<16xi32> to vector<16xi32>
    %swap3A_145 = vector.shape_cast %get3A_141 : vector<16xi32> to vector<16xi32>
    tpu.vector_store %arg12[%swap3A_142], %swap3A_145 {strides = array<i32>} : memref<160xi32, #tpu.memory_space<vmem>>, vector<16xi32>,
    %get3A_146 = arith.constant 128 : index
    %get3A_147 = tpu.vector_load %arg8[%get3A_146] {strides = array<i32>} : memref<160xi32, #tpu.memory_space<vmem>>, vector<16xi32>,
    %get3A_148 = vector.shape_cast %get3A_147 : vector<16xi32> to vector<16xi32>
    %add3A_149 = vector.broadcast %mul3A_4 : i32 to vector<16xi32>
    %add3A_150 = arith.addi %get3A_148, %add3A_149 : vector<16xi32>
    %swap3A_151 = arith.constant 128 : index
    %swap3A_152 = tpu.vector_load %arg8[%swap3A_151] {strides = array<i32>} : memref<160xi32, #tpu.memory_space<vmem>>, vector<16xi32>,
    %swap3A_153 = vector.shape_cast %swap3A_152 : vector<16xi32> to vector<16xi32>
    %swap3A_154 = vector.shape_cast %add3A_150 : vector<16xi32> to vector<16xi32>
    tpu.vector_store %arg8[%swap3A_151], %swap3A_154 {strides = array<i32>} : memref<160xi32, #tpu.memory_space<vmem>>, vector<16xi32>,
    %get3A_155 = arith.constant 128 : index
    %get3A_156 = tpu.vector_load %arg10[%get3A_155] {strides = array<i32>} : memref<160xi32, #tpu.memory_space<vmem>>, vector<16xi32>,
    %get3A_157 = vector.shape_cast %get3A_156 : vector<16xi32> to vector<16xi32>
    %swap3A_158 = arith.constant 128 : index
    %swap3A_159 = tpu.vector_load %arg12[%swap3A_158] {strides = array<i32>} : memref<160xi32, #tpu.memory_space<vmem>>, vector<16xi32>,
    %swap3A_160 = vector.shape_cast %swap3A_159 : vector<16xi32> to vector<16xi32>
    %swap3A_161 = vector.shape_cast %get3A_157 : vector<16xi32> to vector<16xi32>
    tpu.vector_store %arg12[%swap3A_158], %swap3A_161 {strides = array<i32>} : memref<160xi32, #tpu.memory_space<vmem>>, vector<16xi32>,
    %get3A_162 = arith.constant 144 : index
    %get3A_163 = tpu.vector_load %arg8[%get3A_162] {strides = array<i32>} : memref<160xi32, #tpu.memory_space<vmem>>, vector<16xi32>,
    %get3A_164 = vector.shape_cast %get3A_163 : vector<16xi32> to vector<16xi32>
    %add3A_165 = vector.broadcast %mul3A_4 : i32 to vector<16xi32>
    %add3A_166 = arith.addi %get3A_164, %add3A_165 : vector<16xi32>
    %swap3A_167 = arith.constant 144 : index
    %swap3A_168 = tpu.vector_load %arg8[%swap3A_167] {strides = array<i32>} : memref<160xi32, #tpu.memory_space<vmem>>, vector<16xi32>,
    %swap3A_169 = vector.shape_cast %swap3A_168 : vector<16xi32> to vector<16xi32>
    %swap3A_170 = vector.shape_cast %add3A_166 : vector<16xi32> to vector<16xi32>
    tpu.vector_store %arg8[%swap3A_167], %swap3A_170 {strides = array<i32>} : memref<160xi32, #tpu.memory_space<vmem>>, vector<16xi32>,
    %get3A_171 = arith.constant 144 : index
    %get3A_172 = tpu.vector_load %arg10[%get3A_171] {strides = array<i32>} : memref<160xi32, #tpu.memory_space<vmem>>, vector<16xi32>,
    %get3A_173 = vector.shape_cast %get3A_172 : vector<16xi32> to vector<16xi32>
    %swap3A_174 = arith.constant 144 : index
    %swap3A_175 = tpu.vector_load %arg12[%swap3A_174] {strides = array<i32>} : memref<160xi32, #tpu.memory_space<vmem>>, vector<16xi32>,
    %swap3A_176 = vector.shape_cast %swap3A_175 : vector<16xi32> to vector<16xi32>
    %swap3A_177 = vector.shape_cast %get3A_173 : vector<16xi32> to vector<16xi32>
    tpu.vector_store %arg12[%swap3A_174], %swap3A_177 {strides = array<i32>} : memref<160xi32, #tpu.memory_space<vmem>>, vector<16xi32>,
    %dma_start3A_178 = arith.constant 0 : i32
    %dma_start3A_179 = arith.constant 0 : i32
    %dma_start3A_180 = tpu.memref_slice %arg4[%dma_start3A_178, %dma_start3A_179] : memref<20480x128xf32, #tpu.memory_space<hbm>> -> memref<20480x128xf32, #tpu.memory_space<hbm>>
    tpu.enqueue_indirect_dma source(%dma_start3A_180 : memref<20480x128xf32, #tpu.memory_space<hbm>>) target(%arg14 : memref<160x128xf32, #tpu.memory_space<vmem>>) offsets(%arg8 : memref<160xi32, #tpu.memory_space<vmem>>) semaphore(%arg20 : memref<!tpu.dma_semaphore, #tpu.memory_space<semaphore_mem>>)
    %add3A_181 = arith.constant 160 : i32
    %add3A_182 = arith.addi %mul3A_2, %add3A_181 : i32
    %dma_wait3A_183 = tpu.memref_slice %arg2[%add3A_182] : memref<163840xi32, #tpu.memory_space<hbm>> -> memref<160xi32, #tpu.memory_space<hbm>>
    %dma_wait3A_184 = tpu.memref_slice %arg2[%add3A_182] : memref<163840xi32, #tpu.memory_space<hbm>> -> memref<160xi32, #tpu.memory_space<hbm>>
    tpu.wait_dma2 semaphore(%arg17 : memref<!tpu.dma_semaphore, #tpu.memory_space<semaphore_mem>>) src(%dma_wait3A_184 : memref<160xi32, #tpu.memory_space<hbm>>) dst(%arg9 : memref<160xi32, #tpu.memory_space<vmem>>)
    %dma_wait3A_185 = tpu.memref_slice %arg3[%add3A_182] : memref<163840xi32, #tpu.memory_space<hbm>> -> memref<160xi32, #tpu.memory_space<hbm>>
    %dma_wait3A_186 = tpu.memref_slice %arg3[%add3A_182] : memref<163840xi32, #tpu.memory_space<hbm>> -> memref<160xi32, #tpu.memory_space<hbm>>
    tpu.wait_dma2 semaphore(%arg19 : memref<!tpu.dma_semaphore, #tpu.memory_space<semaphore_mem>>) src(%dma_wait3A_186 : memref<160xi32, #tpu.memory_space<hbm>>) dst(%arg11 : memref<160xi32, #tpu.memory_space<vmem>>)
    %get3A_187 = arith.constant 0 : index
    %get3A_188 = tpu.vector_load %arg9[%get3A_187] {strides = array<i32>} : memref<160xi32, #tpu.memory_space<vmem>>, vector<16xi32>,
    %get3A_189 = vector.shape_cast %get3A_188 : vector<16xi32> to vector<16xi32>
    %add3A_190 = vector.broadcast %mul3A_4 : i32 to vector<16xi32>
    %add3A_191 = arith.addi %get3A_189, %add3A_190 : vector<16xi32>
    %swap3A_192 = arith.constant 0 : index
    %swap3A_193 = tpu.vector_load %arg9[%swap3A_192] {strides = array<i32>} : memref<160xi32, #tpu.memory_space<vmem>>, vector<16xi32>,
    %swap3A_194 = vector.shape_cast %swap3A_193 : vector<16xi32> to vector<16xi32>
    %swap3A_195 = vector.shape_cast %add3A_191 : vector<16xi32> to vector<16xi32>
    tpu.vector_store %arg9[%swap3A_192], %swap3A_195 {strides = array<i32>} : memref<160xi32, #tpu.memory_space<vmem>>, vector<16xi32>,
    %get3A_196 = arith.constant 0 : index
    %get3A_197 = tpu.vector_load %arg11[%get3A_196] {strides = array<i32>} : memref<160xi32, #tpu.memory_space<vmem>>, vector<16xi32>,
    %get3A_198 = vector.shape_cast %get3A_197 : vector<16xi32> to vector<16xi32>
    %swap3A_199 = arith.constant 0 : index
    %swap3A_200 = tpu.vector_load %arg13[%swap3A_199] {strides = array<i32>} : memref<160xi32, #tpu.memory_space<vmem>>, vector<16xi32>,
    %swap3A_201 = vector.shape_cast %swap3A_200 : vector<16xi32> to vector<16xi32>
    %swap3A_202 = vector.shape_cast %get3A_198 : vector<16xi32> to vector<16xi32>
    tpu.vector_store %arg13[%swap3A_199], %swap3A_202 {strides = array<i32>} : memref<160xi32, #tpu.memory_space<vmem>>, vector<16xi32>,
    %get3A_203 = arith.constant 16 : index
    %get3A_204 = tpu.vector_load %arg9[%get3A_203] {strides = array<i32>} : memref<160xi32, #tpu.memory_space<vmem>>, vector<16xi32>,
    %get3A_205 = vector.shape_cast %get3A_204 : vector<16xi32> to vector<16xi32>
    %add3A_206 = vector.broadcast %mul3A_4 : i32 to vector<16xi32>
    %add3A_207 = arith.addi %get3A_205, %add3A_206 : vector<16xi32>
    %swap3A_208 = arith.constant 16 : index
    %swap3A_209 = tpu.vector_load %arg9[%swap3A_208] {strides = array<i32>} : memref<160xi32, #tpu.memory_space<vmem>>, vector<16xi32>,
    %swap3A_210 = vector.shape_cast %swap3A_209 : vector<16xi32> to vector<16xi32>
    %swap3A_211 = vector.shape_cast %add3A_207 : vector<16xi32> to vector<16xi32>
    tpu.vector_store %arg9[%swap3A_208], %swap3A_211 {strides = array<i32>} : memref<160xi32, #tpu.memory_space<vmem>>, vector<16xi32>,
    %get3A_212 = arith.constant 16 : index
    %get3A_213 = tpu.vector_load %arg11[%get3A_212] {strides = array<i32>} : memref<160xi32, #tpu.memory_space<vmem>>, vector<16xi32>,
    %get3A_214 = vector.shape_cast %get3A_213 : vector<16xi32> to vector<16xi32>
    %swap3A_215 = arith.constant 16 : index
    %swap3A_216 = tpu.vector_load %arg13[%swap3A_215] {strides = array<i32>} : memref<160xi32, #tpu.memory_space<vmem>>, vector<16xi32>,
    %swap3A_217 = vector.shape_cast %swap3A_216 : vector<16xi32> to vector<16xi32>
    %swap3A_218 = vector.shape_cast %get3A_214 : vector<16xi32> to vector<16xi32>
    tpu.vector_store %arg13[%swap3A_215], %swap3A_218 {strides = array<i32>} : memref<160xi32, #tpu.memory_space<vmem>>, vector<16xi32>,
    %get3A_219 = arith.constant 32 : index
    %get3A_220 = tpu.vector_load %arg9[%get3A_219] {strides = array<i32>} : memref<160xi32, #tpu.memory_space<vmem>>, vector<16xi32>,
    %get3A_221 = vector.shape_cast %get3A_220 : vector<16xi32> to vector<16xi32>
    %add3A_222 = vector.broadcast %mul3A_4 : i32 to vector<16xi32>
    %add3A_223 = arith.addi %get3A_221, %add3A_222 : vector<16xi32>
    %swap3A_224 = arith.constant 32 : index
    %swap3A_225 = tpu.vector_load %arg9[%swap3A_224] {strides = array<i32>} : memref<160xi32, #tpu.memory_space<vmem>>, vector<16xi32>,
    %swap3A_226 = vector.shape_cast %swap3A_225 : vector<16xi32> to vector<16xi32>
    %swap3A_227 = vector.shape_cast %add3A_223 : vector<16xi32> to vector<16xi32>
    tpu.vector_store %arg9[%swap3A_224], %swap3A_227 {strides = array<i32>} : memref<160xi32, #tpu.memory_space<vmem>>, vector<16xi32>,
    %get3A_228 = arith.constant 32 : index
    %get3A_229 = tpu.vector_load %arg11[%get3A_228] {strides = array<i32>} : memref<160xi32, #tpu.memory_space<vmem>>, vector<16xi32>,
    %get3A_230 = vector.shape_cast %get3A_229 : vector<16xi32> to vector<16xi32>
    %swap3A_231 = arith.constant 32 : index
    %swap3A_232 = tpu.vector_load %arg13[%swap3A_231] {strides = array<i32>} : memref<160xi32, #tpu.memory_space<vmem>>, vector<16xi32>,
    %swap3A_233 = vector.shape_cast %swap3A_232 : vector<16xi32> to vector<16xi32>
    %swap3A_234 = vector.shape_cast %get3A_230 : vector<16xi32> to vector<16xi32>
    tpu.vector_store %arg13[%swap3A_231], %swap3A_234 {strides = array<i32>} : memref<160xi32, #tpu.memory_space<vmem>>, vector<16xi32>,
    %get3A_235 = arith.constant 48 : index
    %get3A_236 = tpu.vector_load %arg9[%get3A_235] {strides = array<i32>} : memref<160xi32, #tpu.memory_space<vmem>>, vector<16xi32>,
    %get3A_237 = vector.shape_cast %get3A_236 : vector<16xi32> to vector<16xi32>
    %add3A_238 = vector.broadcast %mul3A_4 : i32 to vector<16xi32>
    %add3A_239 = arith.addi %get3A_237, %add3A_238 : vector<16xi32>
    %swap3A_240 = arith.constant 48 : index
    %swap3A_241 = tpu.vector_load %arg9[%swap3A_240] {strides = array<i32>} : memref<160xi32, #tpu.memory_space<vmem>>, vector<16xi32>,
    %swap3A_242 = vector.shape_cast %swap3A_241 : vector<16xi32> to vector<16xi32>
    %swap3A_243 = vector.shape_cast %add3A_239 : vector<16xi32> to vector<16xi32>
    tpu.vector_store %arg9[%swap3A_240], %swap3A_243 {strides = array<i32>} : memref<160xi32, #tpu.memory_space<vmem>>, vector<16xi32>,
    %get3A_244 = arith.constant 48 : index
    %get3A_245 = tpu.vector_load %arg11[%get3A_244] {strides = array<i32>} : memref<160xi32, #tpu.memory_space<vmem>>, vector<16xi32>,
    %get3A_246 = vector.shape_cast %get3A_245 : vector<16xi32> to vector<16xi32>
    %swap3A_247 = arith.constant 48 : index
    %swap3A_248 = tpu.vector_load %arg13[%swap3A_247] {strides = array<i32>} : memref<160xi32, #tpu.memory_space<vmem>>, vector<16xi32>,
    %swap3A_249 = vector.shape_cast %swap3A_248 : vector<16xi32> to vector<16xi32>
    %swap3A_250 = vector.shape_cast %get3A_246 : vector<16xi32> to vector<16xi32>
    tpu.vector_store %arg13[%swap3A_247], %swap3A_250 {strides = array<i32>} : memref<160xi32, #tpu.memory_space<vmem>>, vector<16xi32>,
    %get3A_251 = arith.constant 64 : index
    %get3A_252 = tpu.vector_load %arg9[%get3A_251] {strides = array<i32>} : memref<160xi32, #tpu.memory_space<vmem>>, vector<16xi32>,
    %get3A_253 = vector.shape_cast %get3A_252 : vector<16xi32> to vector<16xi32>
    %add3A_254 = vector.broadcast %mul3A_4 : i32 to vector<16xi32>
    %add3A_255 = arith.addi %get3A_253, %add3A_254 : vector<16xi32>
    %swap3A_256 = arith.constant 64 : index
    %swap3A_257 = tpu.vector_load %arg9[%swap3A_256] {strides = array<i32>} : memref<160xi32, #tpu.memory_space<vmem>>, vector<16xi32>,
    %swap3A_258 = vector.shape_cast %swap3A_257 : vector<16xi32> to vector<16xi32>
    %swap3A_259 = vector.shape_cast %add3A_255 : vector<16xi32> to vector<16xi32>
    tpu.vector_store %arg9[%swap3A_256], %swap3A_259 {strides = array<i32>} : memref<160xi32, #tpu.memory_space<vmem>>, vector<16xi32>,
    %get3A_260 = arith.constant 64 : index
    %get3A_261 = tpu.vector_load %arg11[%get3A_260] {strides = array<i32>} : memref<160xi32, #tpu.memory_space<vmem>>, vector<16xi32>,
    %get3A_262 = vector.shape_cast %get3A_261 : vector<16xi32> to vector<16xi32>
    %swap3A_263 = arith.constant 64 : index
    %swap3A_264 = tpu.vector_load %arg13[%swap3A_263] {strides = array<i32>} : memref<160xi32, #tpu.memory_space<vmem>>, vector<16xi32>,
    %swap3A_265 = vector.shape_cast %swap3A_264 : vector<16xi32> to vector<16xi32>
    %swap3A_266 = vector.shape_cast %get3A_262 : vector<16xi32> to vector<16xi32>
    tpu.vector_store %arg13[%swap3A_263], %swap3A_266 {strides = array<i32>} : memref<160xi32, #tpu.memory_space<vmem>>, vector<16xi32>,
    %get3A_267 = arith.constant 80 : index
    %get3A_268 = tpu.vector_load %arg9[%get3A_267] {strides = array<i32>} : memref<160xi32, #tpu.memory_space<vmem>>, vector<16xi32>,
    %get3A_269 = vector.shape_cast %get3A_268 : vector<16xi32> to vector<16xi32>
    %add3A_270 = vector.broadcast %mul3A_4 : i32 to vector<16xi32>
    %add3A_271 = arith.addi %get3A_269, %add3A_270 : vector<16xi32>
    %swap3A_272 = arith.constant 80 : index
    %swap3A_273 = tpu.vector_load %arg9[%swap3A_272] {strides = array<i32>} : memref<160xi32, #tpu.memory_space<vmem>>, vector<16xi32>,
    %swap3A_274 = vector.shape_cast %swap3A_273 : vector<16xi32> to vector<16xi32>
    %swap3A_275 = vector.shape_cast %add3A_271 : vector<16xi32> to vector<16xi32>
    tpu.vector_store %arg9[%swap3A_272], %swap3A_275 {strides = array<i32>} : memref<160xi32, #tpu.memory_space<vmem>>, vector<16xi32>,
    %get3A_276 = arith.constant 80 : index
    %get3A_277 = tpu.vector_load %arg11[%get3A_276] {strides = array<i32>} : memref<160xi32, #tpu.memory_space<vmem>>, vector<16xi32>,
    %get3A_278 = vector.shape_cast %get3A_277 : vector<16xi32> to vector<16xi32>
    %swap3A_279 = arith.constant 80 : index
    %swap3A_280 = tpu.vector_load %arg13[%swap3A_279] {strides = array<i32>} : memref<160xi32, #tpu.memory_space<vmem>>, vector<16xi32>,
    %swap3A_281 = vector.shape_cast %swap3A_280 : vector<16xi32> to vector<16xi32>
    %swap3A_282 = vector.shape_cast %get3A_278 : vector<16xi32> to vector<16xi32>
    tpu.vector_store %arg13[%swap3A_279], %swap3A_282 {strides = array<i32>} : memref<160xi32, #tpu.memory_space<vmem>>, vector<16xi32>,
    %get3A_283 = arith.constant 96 : index
    %get3A_284 = tpu.vector_load %arg9[%get3A_283] {strides = array<i32>} : memref<160xi32, #tpu.memory_space<vmem>>, vector<16xi32>,
    %get3A_285 = vector.shape_cast %get3A_284 : vector<16xi32> to vector<16xi32>
    %add3A_286 = vector.broadcast %mul3A_4 : i32 to vector<16xi32>
    %add3A_287 = arith.addi %get3A_285, %add3A_286 : vector<16xi32>
    %swap3A_288 = arith.constant 96 : index
    %swap3A_289 = tpu.vector_load %arg9[%swap3A_288] {strides = array<i32>} : memref<160xi32, #tpu.memory_space<vmem>>, vector<16xi32>,
    %swap3A_290 = vector.shape_cast %swap3A_289 : vector<16xi32> to vector<16xi32>
    %swap3A_291 = vector.shape_cast %add3A_287 : vector<16xi32> to vector<16xi32>
    tpu.vector_store %arg9[%swap3A_288], %swap3A_291 {strides = array<i32>} : memref<160xi32, #tpu.memory_space<vmem>>, vector<16xi32>,
    %get3A_292 = arith.constant 96 : index
    %get3A_293 = tpu.vector_load %arg11[%get3A_292] {strides = array<i32>} : memref<160xi32, #tpu.memory_space<vmem>>, vector<16xi32>,
    %get3A_294 = vector.shape_cast %get3A_293 : vector<16xi32> to vector<16xi32>
    %swap3A_295 = arith.constant 96 : index
    %swap3A_296 = tpu.vector_load %arg13[%swap3A_295] {strides = array<i32>} : memref<160xi32, #tpu.memory_space<vmem>>, vector<16xi32>,
    %swap3A_297 = vector.shape_cast %swap3A_296 : vector<16xi32> to vector<16xi32>
    %swap3A_298 = vector.shape_cast %get3A_294 : vector<16xi32> to vector<16xi32>
    tpu.vector_store %arg13[%swap3A_295], %swap3A_298 {strides = array<i32>} : memref<160xi32, #tpu.memory_space<vmem>>, vector<16xi32>,
    %get3A_299 = arith.constant 112 : index
    %get3A_300 = tpu.vector_load %arg9[%get3A_299] {strides = array<i32>} : memref<160xi32, #tpu.memory_space<vmem>>, vector<16xi32>,
    %get3A_301 = vector.shape_cast %get3A_300 : vector<16xi32> to vector<16xi32>
    %add3A_302 = vector.broadcast %mul3A_4 : i32 to vector<16xi32>
    %add3A_303 = arith.addi %get3A_301, %add3A_302 : vector<16xi32>
    %swap3A_304 = arith.constant 112 : index
    %swap3A_305 = tpu.vector_load %arg9[%swap3A_304] {strides = array<i32>} : memref<160xi32, #tpu.memory_space<vmem>>, vector<16xi32>,
    %swap3A_306 = vector.shape_cast %swap3A_305 : vector<16xi32> to vector<16xi32>
    %swap3A_307 = vector.shape_cast %add3A_303 : vector<16xi32> to vector<16xi32>
    tpu.vector_store %arg9[%swap3A_304], %swap3A_307 {strides = array<i32>} : memref<160xi32, #tpu.memory_space<vmem>>, vector<16xi32>,
    %get3A_308 = arith.constant 112 : index
    %get3A_309 = tpu.vector_load %arg11[%get3A_308] {strides = array<i32>} : memref<160xi32, #tpu.memory_space<vmem>>, vector<16xi32>,
    %get3A_310 = vector.shape_cast %get3A_309 : vector<16xi32> to vector<16xi32>
    %swap3A_311 = arith.constant 112 : index
    %swap3A_312 = tpu.vector_load %arg13[%swap3A_311] {strides = array<i32>} : memref<160xi32, #tpu.memory_space<vmem>>, vector<16xi32>,
    %swap3A_313 = vector.shape_cast %swap3A_312 : vector<16xi32> to vector<16xi32>
    %swap3A_314 = vector.shape_cast %get3A_310 : vector<16xi32> to vector<16xi32>
    tpu.vector_store %arg13[%swap3A_311], %swap3A_314 {strides = array<i32>} : memref<160xi32, #tpu.memory_space<vmem>>, vector<16xi32>,
    %get3A_315 = arith.constant 128 : index
    %get3A_316 = tpu.vector_load %arg9[%get3A_315] {strides = array<i32>} : memref<160xi32, #tpu.memory_space<vmem>>, vector<16xi32>,
    %get3A_317 = vector.shape_cast %get3A_316 : vector<16xi32> to vector<16xi32>
    %add3A_318 = vector.broadcast %mul3A_4 : i32 to vector<16xi32>
    %add3A_319 = arith.addi %get3A_317, %add3A_318 : vector<16xi32>
    %swap3A_320 = arith.constant 128 : index
    %swap3A_321 = tpu.vector_load %arg9[%swap3A_320] {strides = array<i32>} : memref<160xi32, #tpu.memory_space<vmem>>, vector<16xi32>,
    %swap3A_322 = vector.shape_cast %swap3A_321 : vector<16xi32> to vector<16xi32>
    %swap3A_323 = vector.shape_cast %add3A_319 : vector<16xi32> to vector<16xi32>
    tpu.vector_store %arg9[%swap3A_320], %swap3A_323 {strides = array<i32>} : memref<160xi32, #tpu.memory_space<vmem>>, vector<16xi32>,
    %get3A_324 = arith.constant 128 : index
    %get3A_325 = tpu.vector_load %arg11[%get3A_324] {strides = array<i32>} : memref<160xi32, #tpu.memory_space<vmem>>, vector<16xi32>,
    %get3A_326 = vector.shape_cast %get3A_325 : vector<16xi32> to vector<16xi32>
    %swap3A_327 = arith.constant 128 : index
    %swap3A_328 = tpu.vector_load %arg13[%swap3A_327] {strides = array<i32>} : memref<160xi32, #tpu.memory_space<vmem>>, vector<16xi32>,
    %swap3A_329 = vector.shape_cast %swap3A_328 : vector<16xi32> to vector<16xi32>
    %swap3A_330 = vector.shape_cast %get3A_326 : vector<16xi32> to vector<16xi32>
    tpu.vector_store %arg13[%swap3A_327], %swap3A_330 {strides = array<i32>} : memref<160xi32, #tpu.memory_space<vmem>>, vector<16xi32>,
    %get3A_331 = arith.constant 144 : index
    %get3A_332 = tpu.vector_load %arg9[%get3A_331] {strides = array<i32>} : memref<160xi32, #tpu.memory_space<vmem>>, vector<16xi32>,
    %get3A_333 = vector.shape_cast %get3A_332 : vector<16xi32> to vector<16xi32>
    %add3A_334 = vector.broadcast %mul3A_4 : i32 to vector<16xi32>
    %add3A_335 = arith.addi %get3A_333, %add3A_334 : vector<16xi32>
    %swap3A_336 = arith.constant 144 : index
    %swap3A_337 = tpu.vector_load %arg9[%swap3A_336] {strides = array<i32>} : memref<160xi32, #tpu.memory_space<vmem>>, vector<16xi32>,
    %swap3A_338 = vector.shape_cast %swap3A_337 : vector<16xi32> to vector<16xi32>
    %swap3A_339 = vector.shape_cast %add3A_335 : vector<16xi32> to vector<16xi32>
    tpu.vector_store %arg9[%swap3A_336], %swap3A_339 {strides = array<i32>} : memref<160xi32, #tpu.memory_space<vmem>>, vector<16xi32>,
    %get3A_340 = arith.constant 144 : index
    %get3A_341 = tpu.vector_load %arg11[%get3A_340] {strides = array<i32>} : memref<160xi32, #tpu.memory_space<vmem>>, vector<16xi32>,
    %get3A_342 = vector.shape_cast %get3A_341 : vector<16xi32> to vector<16xi32>
    %swap3A_343 = arith.constant 144 : index
    %swap3A_344 = tpu.vector_load %arg13[%swap3A_343] {strides = array<i32>} : memref<160xi32, #tpu.memory_space<vmem>>, vector<16xi32>,
    %swap3A_345 = vector.shape_cast %swap3A_344 : vector<16xi32> to vector<16xi32>
    %swap3A_346 = vector.shape_cast %get3A_342 : vector<16xi32> to vector<16xi32>
    tpu.vector_store %arg13[%swap3A_343], %swap3A_346 {strides = array<i32>} : memref<160xi32, #tpu.memory_space<vmem>>, vector<16xi32>,
    %dma_wait3A_347 = arith.constant 0 : i32
    %dma_wait3A_348 = arith.constant 0 : i32
    %dma_wait3A_349 = tpu.memref_slice %arg4[%dma_wait3A_347, %dma_wait3A_348] : memref<20480x128xf32, #tpu.memory_space<hbm>> -> memref<20480x128xf32, #tpu.memory_space<hbm>>
    tpu.wait_indirect_dma semaphore(%arg20 : memref<!tpu.dma_semaphore, #tpu.memory_space<semaphore_mem>>) src(%dma_wait3A_349 : memref<20480x128xf32, #tpu.memory_space<hbm>>) dst(%arg14 : memref<160x128xf32, #tpu.memory_space<vmem>>)
    %dma_start3A_350 = arith.constant 0 : i32
    %dma_start3A_351 = arith.constant 0 : i32
    %dma_start3A_352 = tpu.memref_slice %arg7[%dma_start3A_350, %dma_start3A_351] : memref<10240x128xf32, #tpu.memory_space<vmem_shared>> -> memref<10240x128xf32, #tpu.memory_space<vmem_shared>>
    tpu.enqueue_indirect_dma source(%arg14 : memref<160x128xf32, #tpu.memory_space<vmem>>) target(%dma_start3A_352 : memref<10240x128xf32, #tpu.memory_space<vmem_shared>>) offsets(%arg12 : memref<160xi32, #tpu.memory_space<vmem>>) semaphore(%arg22 : memref<!tpu.dma_semaphore, #tpu.memory_space<semaphore_mem>>) {add = true}
    %dma_start3A_353 = arith.constant 0 : i32
    %dma_start3A_354 = arith.constant 0 : i32
    %dma_start3A_355 = tpu.memref_slice %arg4[%dma_start3A_353, %dma_start3A_354] : memref<20480x128xf32, #tpu.memory_space<hbm>> -> memref<20480x128xf32, #tpu.memory_space<hbm>>
    tpu.enqueue_indirect_dma source(%dma_start3A_355 : memref<20480x128xf32, #tpu.memory_space<hbm>>) target(%arg15 : memref<160x128xf32, #tpu.memory_space<vmem>>) offsets(%arg9 : memref<160xi32, #tpu.memory_space<vmem>>) semaphore(%arg21 : memref<!tpu.dma_semaphore, #tpu.memory_space<semaphore_mem>>)
    %add3A_356 = arith.constant 320 : i32
    %add3A_357 = arith.addi %mul3A_2, %add3A_356 : i32
    %dma_start3A_358 = tpu.memref_slice %arg2[%add3A_357] : memref<163840xi32, #tpu.memory_space<hbm>> -> memref<160xi32, #tpu.memory_space<hbm>>
    %dma_start3A_359 = tpu.memref_slice %arg2[%add3A_357] : memref<163840xi32, #tpu.memory_space<hbm>> -> memref<160xi32, #tpu.memory_space<hbm>>
    tpu.enqueue_dma source(%dma_start3A_359 : memref<160xi32, #tpu.memory_space<hbm>>) target(%arg8 : memref<160xi32, #tpu.memory_space<vmem>>) target_semaphore(%arg16 : memref<!tpu.dma_semaphore, #tpu.memory_space<semaphore_mem>>)
    %dma_start3A_360 = tpu.memref_slice %arg3[%add3A_357] : memref<163840xi32, #tpu.memory_space<hbm>> -> memref<160xi32, #tpu.memory_space<hbm>>
    %dma_start3A_361 = tpu.memref_slice %arg3[%add3A_357] : memref<163840xi32, #tpu.memory_space<hbm>> -> memref<160xi32, #tpu.memory_space<hbm>>
    tpu.enqueue_dma source(%dma_start3A_361 : memref<160xi32, #tpu.memory_space<hbm>>) target(%arg10 : memref<160xi32, #tpu.memory_space<vmem>>) target_semaphore(%arg18 : memref<!tpu.dma_semaphore, #tpu.memory_space<semaphore_mem>>)
    %scan3A = arith.constant 0 : i32
    %scan3A_362 = arith.constant 31 : i32
    %scan3A_363 = arith.addi %scan3A, %scan3A_362 : i32
    %scan3A_364 = arith.constant 1 : i32
    scf.for %scan3A_380 = %scan3A to %scan3A_363 step %scan3A_364  : i32 {
      %mul3A_381 = arith.constant 1 : i32
      %mul3A_382 = arith.muli %scan3A_380, %mul3A_381 : i32
      %add3A_383 = arith.constant 0 : i32
      %add3A_384 = arith.addi %add3A_383, %mul3A_382 : i32
      %mul3A_385 = arith.constant 2 : i32
      %mul3A_386 = arith.muli %mul3A_385, %add3A_384 : i32
      %add3A_387 = arith.constant 2 : i32
      %add3A_388 = arith.addi %mul3A_386, %add3A_387 : i32
      %mul3A_389 = arith.constant 160 : i32
      %mul3A_390 = arith.muli %add3A_388, %mul3A_389 : i32
      %add3A_391 = arith.addi %mul3A_2, %mul3A_390 : i32
      %dma_wait3A_392 = tpu.memref_slice %arg2[%add3A_391] : memref<163840xi32, #tpu.memory_space<hbm>> -> memref<160xi32, #tpu.memory_space<hbm>>
      %dma_wait3A_393 = tpu.memref_slice %arg2[%add3A_391] : memref<163840xi32, #tpu.memory_space<hbm>> -> memref<160xi32, #tpu.memory_space<hbm>>
      tpu.wait_dma2 semaphore(%arg16 : memref<!tpu.dma_semaphore, #tpu.memory_space<semaphore_mem>>) src(%dma_wait3A_393 : memref<160xi32, #tpu.memory_space<hbm>>) dst(%arg8 : memref<160xi32, #tpu.memory_space<vmem>>)
      %dma_wait3A_394 = tpu.memref_slice %arg3[%add3A_391] : memref<163840xi32, #tpu.memory_space<hbm>> -> memref<160xi32, #tpu.memory_space<hbm>>
      %dma_wait3A_395 = tpu.memref_slice %arg3[%add3A_391] : memref<163840xi32, #tpu.memory_space<hbm>> -> memref<160xi32, #tpu.memory_space<hbm>>
      tpu.wait_dma2 semaphore(%arg18 : memref<!tpu.dma_semaphore, #tpu.memory_space<semaphore_mem>>) src(%dma_wait3A_395 : memref<160xi32, #tpu.memory_space<hbm>>) dst(%arg10 : memref<160xi32, #tpu.memory_space<vmem>>)
      %dma_wait3A_396 = arith.constant 0 : i32
      %dma_wait3A_397 = arith.constant 0 : i32
      %dma_wait3A_398 = tpu.memref_slice %arg7[%dma_wait3A_396, %dma_wait3A_397] : memref<10240x128xf32, #tpu.memory_space<vmem_shared>> -> memref<10240x128xf32, #tpu.memory_space<vmem_shared>>
      tpu.wait_indirect_dma semaphore(%arg22 : memref<!tpu.dma_semaphore, #tpu.memory_space<semaphore_mem>>) src(%arg14 : memref<160x128xf32, #tpu.memory_space<vmem>>) dst(%dma_wait3A_398 : memref<10240x128xf32, #tpu.memory_space<vmem_shared>>)
      %get3A_399 = arith.constant 0 : index
      %get3A_400 = tpu.vector_load %arg8[%get3A_399] {strides = array<i32>} : memref<160xi32, #tpu.memory_space<vmem>>, vector<16xi32>,
      %get3A_401 = vector.shape_cast %get3A_400 : vector<16xi32> to vector<16xi32>
      %add3A_402 = vector.broadcast %mul3A_4 : i32 to vector<16xi32>
      %add3A_403 = arith.addi %get3A_401, %add3A_402 : vector<16xi32>
      %swap3A_404 = arith.constant 0 : index
      %swap3A_405 = tpu.vector_load %arg8[%swap3A_404] {strides = array<i32>} : memref<160xi32, #tpu.memory_space<vmem>>, vector<16xi32>,
      %swap3A_406 = vector.shape_cast %swap3A_405 : vector<16xi32> to vector<16xi32>
      %swap3A_407 = vector.shape_cast %add3A_403 : vector<16xi32> to vector<16xi32>
      tpu.vector_store %arg8[%swap3A_404], %swap3A_407 {strides = array<i32>} : memref<160xi32, #tpu.memory_space<vmem>>, vector<16xi32>,
      %get3A_408 = arith.constant 0 : index
      %get3A_409 = tpu.vector_load %arg10[%get3A_408] {strides = array<i32>} : memref<160xi32, #tpu.memory_space<vmem>>, vector<16xi32>,
      %get3A_410 = vector.shape_cast %get3A_409 : vector<16xi32> to vector<16xi32>
      %swap3A_411 = arith.constant 0 : index
      %swap3A_412 = tpu.vector_load %arg12[%swap3A_411] {strides = array<i32>} : memref<160xi32, #tpu.memory_space<vmem>>, vector<16xi32>,
      %swap3A_413 = vector.shape_cast %swap3A_412 : vector<16xi32> to vector<16xi32>
      %swap3A_414 = vector.shape_cast %get3A_410 : vector<16xi32> to vector<16xi32>
      tpu.vector_store %arg12[%swap3A_411], %swap3A_414 {strides = array<i32>} : memref<160xi32, #tpu.memory_space<vmem>>, vector<16xi32>,
      %get3A_415 = arith.constant 16 : index
      %get3A_416 = tpu.vector_load %arg8[%get3A_415] {strides = array<i32>} : memref<160xi32, #tpu.memory_space<vmem>>, vector<16xi32>,
      %get3A_417 = vector.shape_cast %get3A_416 : vector<16xi32> to vector<16xi32>
      %add3A_418 = vector.broadcast %mul3A_4 : i32 to vector<16xi32>
      %add3A_419 = arith.addi %get3A_417, %add3A_418 : vector<16xi32>
      %swap3A_420 = arith.constant 16 : index
      %swap3A_421 = tpu.vector_load %arg8[%swap3A_420] {strides = array<i32>} : memref<160xi32, #tpu.memory_space<vmem>>, vector<16xi32>,
      %swap3A_422 = vector.shape_cast %swap3A_421 : vector<16xi32> to vector<16xi32>
      %swap3A_423 = vector.shape_cast %add3A_419 : vector<16xi32> to vector<16xi32>
      tpu.vector_store %arg8[%swap3A_420], %swap3A_423 {strides = array<i32>} : memref<160xi32, #tpu.memory_space<vmem>>, vector<16xi32>,
      %get3A_424 = arith.constant 16 : index
      %get3A_425 = tpu.vector_load %arg10[%get3A_424] {strides = array<i32>} : memref<160xi32, #tpu.memory_space<vmem>>, vector<16xi32>,
      %get3A_426 = vector.shape_cast %get3A_425 : vector<16xi32> to vector<16xi32>
      %swap3A_427 = arith.constant 16 : index
      %swap3A_428 = tpu.vector_load %arg12[%swap3A_427] {strides = array<i32>} : memref<160xi32, #tpu.memory_space<vmem>>, vector<16xi32>,
      %swap3A_429 = vector.shape_cast %swap3A_428 : vector<16xi32> to vector<16xi32>
      %swap3A_430 = vector.shape_cast %get3A_426 : vector<16xi32> to vector<16xi32>
      tpu.vector_store %arg12[%swap3A_427], %swap3A_430 {strides = array<i32>} : memref<160xi32, #tpu.memory_space<vmem>>, vector<16xi32>,
      %get3A_431 = arith.constant 32 : index
      %get3A_432 = tpu.vector_load %arg8[%get3A_431] {strides = array<i32>} : memref<160xi32, #tpu.memory_space<vmem>>, vector<16xi32>,
      %get3A_433 = vector.shape_cast %get3A_432 : vector<16xi32> to vector<16xi32>
      %add3A_434 = vector.broadcast %mul3A_4 : i32 to vector<16xi32>
      %add3A_435 = arith.addi %get3A_433, %add3A_434 : vector<16xi32>
      %swap3A_436 = arith.constant 32 : index
      %swap3A_437 = tpu.vector_load %arg8[%swap3A_436] {strides = array<i32>} : memref<160xi32, #tpu.memory_space<vmem>>, vector<16xi32>,
      %swap3A_438 = vector.shape_cast %swap3A_437 : vector<16xi32> to vector<16xi32>
      %swap3A_439 = vector.shape_cast %add3A_435 : vector<16xi32> to vector<16xi32>
      tpu.vector_store %arg8[%swap3A_436], %swap3A_439 {strides = array<i32>} : memref<160xi32, #tpu.memory_space<vmem>>, vector<16xi32>,
      %get3A_440 = arith.constant 32 : index
      %get3A_441 = tpu.vector_load %arg10[%get3A_440] {strides = array<i32>} : memref<160xi32, #tpu.memory_space<vmem>>, vector<16xi32>,
      %get3A_442 = vector.shape_cast %get3A_441 : vector<16xi32> to vector<16xi32>
      %swap3A_443 = arith.constant 32 : index
      %swap3A_444 = tpu.vector_load %arg12[%swap3A_443] {strides = array<i32>} : memref<160xi32, #tpu.memory_space<vmem>>, vector<16xi32>,
      %swap3A_445 = vector.shape_cast %swap3A_444 : vector<16xi32> to vector<16xi32>
      %swap3A_446 = vector.shape_cast %get3A_442 : vector<16xi32> to vector<16xi32>
      tpu.vector_store %arg12[%swap3A_443], %swap3A_446 {strides = array<i32>} : memref<160xi32, #tpu.memory_space<vmem>>, vector<16xi32>,
      %get3A_447 = arith.constant 48 : index
      %get3A_448 = tpu.vector_load %arg8[%get3A_447] {strides = array<i32>} : memref<160xi32, #tpu.memory_space<vmem>>, vector<16xi32>,
      %get3A_449 = vector.shape_cast %get3A_448 : vector<16xi32> to vector<16xi32>
      %add3A_450 = vector.broadcast %mul3A_4 : i32 to vector<16xi32>
      %add3A_451 = arith.addi %get3A_449, %add3A_450 : vector<16xi32>
      %swap3A_452 = arith.constant 48 : index
      %swap3A_453 = tpu.vector_load %arg8[%swap3A_452] {strides = array<i32>} : memref<160xi32, #tpu.memory_space<vmem>>, vector<16xi32>,
      %swap3A_454 = vector.shape_cast %swap3A_453 : vector<16xi32> to vector<16xi32>
      %swap3A_455 = vector.shape_cast %add3A_451 : vector<16xi32> to vector<16xi32>
      tpu.vector_store %arg8[%swap3A_452], %swap3A_455 {strides = array<i32>} : memref<160xi32, #tpu.memory_space<vmem>>, vector<16xi32>,
      %get3A_456 = arith.constant 48 : index
      %get3A_457 = tpu.vector_load %arg10[%get3A_456] {strides = array<i32>} : memref<160xi32, #tpu.memory_space<vmem>>, vector<16xi32>,
      %get3A_458 = vector.shape_cast %get3A_457 : vector<16xi32> to vector<16xi32>
      %swap3A_459 = arith.constant 48 : index
      %swap3A_460 = tpu.vector_load %arg12[%swap3A_459] {strides = array<i32>} : memref<160xi32, #tpu.memory_space<vmem>>, vector<16xi32>,
      %swap3A_461 = vector.shape_cast %swap3A_460 : vector<16xi32> to vector<16xi32>
      %swap3A_462 = vector.shape_cast %get3A_458 : vector<16xi32> to vector<16xi32>
      tpu.vector_store %arg12[%swap3A_459], %swap3A_462 {strides = array<i32>} : memref<160xi32, #tpu.memory_space<vmem>>, vector<16xi32>,
      %get3A_463 = arith.constant 64 : index
      %get3A_464 = tpu.vector_load %arg8[%get3A_463] {strides = array<i32>} : memref<160xi32, #tpu.memory_space<vmem>>, vector<16xi32>,
      %get3A_465 = vector.shape_cast %get3A_464 : vector<16xi32> to vector<16xi32>
      %add3A_466 = vector.broadcast %mul3A_4 : i32 to vector<16xi32>
      %add3A_467 = arith.addi %get3A_465, %add3A_466 : vector<16xi32>
      %swap3A_468 = arith.constant 64 : index
      %swap3A_469 = tpu.vector_load %arg8[%swap3A_468] {strides = array<i32>} : memref<160xi32, #tpu.memory_space<vmem>>, vector<16xi32>,
      %swap3A_470 = vector.shape_cast %swap3A_469 : vector<16xi32> to vector<16xi32>
      %swap3A_471 = vector.shape_cast %add3A_467 : vector<16xi32> to vector<16xi32>
      tpu.vector_store %arg8[%swap3A_468], %swap3A_471 {strides = array<i32>} : memref<160xi32, #tpu.memory_space<vmem>>, vector<16xi32>,
      %get3A_472 = arith.constant 64 : index
      %get3A_473 = tpu.vector_load %arg10[%get3A_472] {strides = array<i32>} : memref<160xi32, #tpu.memory_space<vmem>>, vector<16xi32>,
      %get3A_474 = vector.shape_cast %get3A_473 : vector<16xi32> to vector<16xi32>
      %swap3A_475 = arith.constant 64 : index
      %swap3A_476 = tpu.vector_load %arg12[%swap3A_475] {strides = array<i32>} : memref<160xi32, #tpu.memory_space<vmem>>, vector<16xi32>,
      %swap3A_477 = vector.shape_cast %swap3A_476 : vector<16xi32> to vector<16xi32>
      %swap3A_478 = vector.shape_cast %get3A_474 : vector<16xi32> to vector<16xi32>
      tpu.vector_store %arg12[%swap3A_475], %swap3A_478 {strides = array<i32>} : memref<160xi32, #tpu.memory_space<vmem>>, vector<16xi32>,
      %get3A_479 = arith.constant 80 : index
      %get3A_480 = tpu.vector_load %arg8[%get3A_479] {strides = array<i32>} : memref<160xi32, #tpu.memory_space<vmem>>, vector<16xi32>,
      %get3A_481 = vector.shape_cast %get3A_480 : vector<16xi32> to vector<16xi32>
      %add3A_482 = vector.broadcast %mul3A_4 : i32 to vector<16xi32>
      %add3A_483 = arith.addi %get3A_481, %add3A_482 : vector<16xi32>
      %swap3A_484 = arith.constant 80 : index
      %swap3A_485 = tpu.vector_load %arg8[%swap3A_484] {strides = array<i32>} : memref<160xi32, #tpu.memory_space<vmem>>, vector<16xi32>,
      %swap3A_486 = vector.shape_cast %swap3A_485 : vector<16xi32> to vector<16xi32>
      %swap3A_487 = vector.shape_cast %add3A_483 : vector<16xi32> to vector<16xi32>
      tpu.vector_store %arg8[%swap3A_484], %swap3A_487 {strides = array<i32>} : memref<160xi32, #tpu.memory_space<vmem>>, vector<16xi32>,
      %get3A_488 = arith.constant 80 : index
      %get3A_489 = tpu.vector_load %arg10[%get3A_488] {strides = array<i32>} : memref<160xi32, #tpu.memory_space<vmem>>, vector<16xi32>,
      %get3A_490 = vector.shape_cast %get3A_489 : vector<16xi32> to vector<16xi32>
      %swap3A_491 = arith.constant 80 : index
      %swap3A_492 = tpu.vector_load %arg12[%swap3A_491] {strides = array<i32>} : memref<160xi32, #tpu.memory_space<vmem>>, vector<16xi32>,
      %swap3A_493 = vector.shape_cast %swap3A_492 : vector<16xi32> to vector<16xi32>
      %swap3A_494 = vector.shape_cast %get3A_490 : vector<16xi32> to vector<16xi32>
      tpu.vector_store %arg12[%swap3A_491], %swap3A_494 {strides = array<i32>} : memref<160xi32, #tpu.memory_space<vmem>>, vector<16xi32>,
      %get3A_495 = arith.constant 96 : index
      %get3A_496 = tpu.vector_load %arg8[%get3A_495] {strides = array<i32>} : memref<160xi32, #tpu.memory_space<vmem>>, vector<16xi32>,
      %get3A_497 = vector.shape_cast %get3A_496 : vector<16xi32> to vector<16xi32>
      %add3A_498 = vector.broadcast %mul3A_4 : i32 to vector<16xi32>
      %add3A_499 = arith.addi %get3A_497, %add3A_498 : vector<16xi32>
      %swap3A_500 = arith.constant 96 : index
      %swap3A_501 = tpu.vector_load %arg8[%swap3A_500] {strides = array<i32>} : memref<160xi32, #tpu.memory_space<vmem>>, vector<16xi32>,
      %swap3A_502 = vector.shape_cast %swap3A_501 : vector<16xi32> to vector<16xi32>
      %swap3A_503 = vector.shape_cast %add3A_499 : vector<16xi32> to vector<16xi32>
      tpu.vector_store %arg8[%swap3A_500], %swap3A_503 {strides = array<i32>} : memref<160xi32, #tpu.memory_space<vmem>>, vector<16xi32>,
      %get3A_504 = arith.constant 96 : index
      %get3A_505 = tpu.vector_load %arg10[%get3A_504] {strides = array<i32>} : memref<160xi32, #tpu.memory_space<vmem>>, vector<16xi32>,
      %get3A_506 = vector.shape_cast %get3A_505 : vector<16xi32> to vector<16xi32>
      %swap3A_507 = arith.constant 96 : index
      %swap3A_508 = tpu.vector_load %arg12[%swap3A_507] {strides = array<i32>} : memref<160xi32, #tpu.memory_space<vmem>>, vector<16xi32>,
      %swap3A_509 = vector.shape_cast %swap3A_508 : vector<16xi32> to vector<16xi32>
      %swap3A_510 = vector.shape_cast %get3A_506 : vector<16xi32> to vector<16xi32>
      tpu.vector_store %arg12[%swap3A_507], %swap3A_510 {strides = array<i32>} : memref<160xi32, #tpu.memory_space<vmem>>, vector<16xi32>,
      %get3A_511 = arith.constant 112 : index
      %get3A_512 = tpu.vector_load %arg8[%get3A_511] {strides = array<i32>} : memref<160xi32, #tpu.memory_space<vmem>>, vector<16xi32>,
      %get3A_513 = vector.shape_cast %get3A_512 : vector<16xi32> to vector<16xi32>
      %add3A_514 = vector.broadcast %mul3A_4 : i32 to vector<16xi32>
      %add3A_515 = arith.addi %get3A_513, %add3A_514 : vector<16xi32>
      %swap3A_516 = arith.constant 112 : index
      %swap3A_517 = tpu.vector_load %arg8[%swap3A_516] {strides = array<i32>} : memref<160xi32, #tpu.memory_space<vmem>>, vector<16xi32>,
      %swap3A_518 = vector.shape_cast %swap3A_517 : vector<16xi32> to vector<16xi32>
      %swap3A_519 = vector.shape_cast %add3A_515 : vector<16xi32> to vector<16xi32>
      tpu.vector_store %arg8[%swap3A_516], %swap3A_519 {strides = array<i32>} : memref<160xi32, #tpu.memory_space<vmem>>, vector<16xi32>,
      %get3A_520 = arith.constant 112 : index
      %get3A_521 = tpu.vector_load %arg10[%get3A_520] {strides = array<i32>} : memref<160xi32, #tpu.memory_space<vmem>>, vector<16xi32>,
      %get3A_522 = vector.shape_cast %get3A_521 : vector<16xi32> to vector<16xi32>
      %swap3A_523 = arith.constant 112 : index
      %swap3A_524 = tpu.vector_load %arg12[%swap3A_523] {strides = array<i32>} : memref<160xi32, #tpu.memory_space<vmem>>, vector<16xi32>,
      %swap3A_525 = vector.shape_cast %swap3A_524 : vector<16xi32> to vector<16xi32>
      %swap3A_526 = vector.shape_cast %get3A_522 : vector<16xi32> to vector<16xi32>
      tpu.vector_store %arg12[%swap3A_523], %swap3A_526 {strides = array<i32>} : memref<160xi32, #tpu.memory_space<vmem>>, vector<16xi32>,
      %get3A_527 = arith.constant 128 : index
      %get3A_528 = tpu.vector_load %arg8[%get3A_527] {strides = array<i32>} : memref<160xi32, #tpu.memory_space<vmem>>, vector<16xi32>,
      %get3A_529 = vector.shape_cast %get3A_528 : vector<16xi32> to vector<16xi32>
      %add3A_530 = vector.broadcast %mul3A_4 : i32 to vector<16xi32>
      %add3A_531 = arith.addi %get3A_529, %add3A_530 : vector<16xi32>
      %swap3A_532 = arith.constant 128 : index
      %swap3A_533 = tpu.vector_load %arg8[%swap3A_532] {strides = array<i32>} : memref<160xi32, #tpu.memory_space<vmem>>, vector<16xi32>,
      %swap3A_534 = vector.shape_cast %swap3A_533 : vector<16xi32> to vector<16xi32>
      %swap3A_535 = vector.shape_cast %add3A_531 : vector<16xi32> to vector<16xi32>
      tpu.vector_store %arg8[%swap3A_532], %swap3A_535 {strides = array<i32>} : memref<160xi32, #tpu.memory_space<vmem>>, vector<16xi32>,
      %get3A_536 = arith.constant 128 : index
      %get3A_537 = tpu.vector_load %arg10[%get3A_536] {strides = array<i32>} : memref<160xi32, #tpu.memory_space<vmem>>, vector<16xi32>,
      %get3A_538 = vector.shape_cast %get3A_537 : vector<16xi32> to vector<16xi32>
      %swap3A_539 = arith.constant 128 : index
      %swap3A_540 = tpu.vector_load %arg12[%swap3A_539] {strides = array<i32>} : memref<160xi32, #tpu.memory_space<vmem>>, vector<16xi32>,
      %swap3A_541 = vector.shape_cast %swap3A_540 : vector<16xi32> to vector<16xi32>
      %swap3A_542 = vector.shape_cast %get3A_538 : vector<16xi32> to vector<16xi32>
      tpu.vector_store %arg12[%swap3A_539], %swap3A_542 {strides = array<i32>} : memref<160xi32, #tpu.memory_space<vmem>>, vector<16xi32>,
      %get3A_543 = arith.constant 144 : index
      %get3A_544 = tpu.vector_load %arg8[%get3A_543] {strides = array<i32>} : memref<160xi32, #tpu.memory_space<vmem>>, vector<16xi32>,
      %get3A_545 = vector.shape_cast %get3A_544 : vector<16xi32> to vector<16xi32>
      %add3A_546 = vector.broadcast %mul3A_4 : i32 to vector<16xi32>
      %add3A_547 = arith.addi %get3A_545, %add3A_546 : vector<16xi32>
      %swap3A_548 = arith.constant 144 : index
      %swap3A_549 = tpu.vector_load %arg8[%swap3A_548] {strides = array<i32>} : memref<160xi32, #tpu.memory_space<vmem>>, vector<16xi32>,
      %swap3A_550 = vector.shape_cast %swap3A_549 : vector<16xi32> to vector<16xi32>
      %swap3A_551 = vector.shape_cast %add3A_547 : vector<16xi32> to vector<16xi32>
      tpu.vector_store %arg8[%swap3A_548], %swap3A_551 {strides = array<i32>} : memref<160xi32, #tpu.memory_space<vmem>>, vector<16xi32>,
      %get3A_552 = arith.constant 144 : index
      %get3A_553 = tpu.vector_load %arg10[%get3A_552] {strides = array<i32>} : memref<160xi32, #tpu.memory_space<vmem>>, vector<16xi32>,
      %get3A_554 = vector.shape_cast %get3A_553 : vector<16xi32> to vector<16xi32>
      %swap3A_555 = arith.constant 144 : index
      %swap3A_556 = tpu.vector_load %arg12[%swap3A_555] {strides = array<i32>} : memref<160xi32, #tpu.memory_space<vmem>>, vector<16xi32>,
      %swap3A_557 = vector.shape_cast %swap3A_556 : vector<16xi32> to vector<16xi32>
      %swap3A_558 = vector.shape_cast %get3A_554 : vector<16xi32> to vector<16xi32>
      tpu.vector_store %arg12[%swap3A_555], %swap3A_558 {strides = array<i32>} : memref<160xi32, #tpu.memory_space<vmem>>, vector<16xi32>,
      %dma_wait3A_559 = arith.constant 0 : i32
      %dma_wait3A_560 = arith.constant 0 : i32
      %dma_wait3A_561 = tpu.memref_slice %arg4[%dma_wait3A_559, %dma_wait3A_560] : memref<20480x128xf32, #tpu.memory_space<hbm>> -> memref<20480x128xf32, #tpu.memory_space<hbm>>
      tpu.wait_indirect_dma semaphore(%arg21 : memref<!tpu.dma_semaphore, #tpu.memory_space<semaphore_mem>>) src(%dma_wait3A_561 : memref<20480x128xf32, #tpu.memory_space<hbm>>) dst(%arg15 : memref<160x128xf32, #tpu.memory_space<vmem>>)
      %dma_start3A_562 = arith.constant 0 : i32
      %dma_start3A_563 = arith.constant 0 : i32
      %dma_start3A_564 = tpu.memref_slice %arg7[%dma_start3A_562, %dma_start3A_563] : memref<10240x128xf32, #tpu.memory_space<vmem_shared>> -> memref<10240x128xf32, #tpu.memory_space<vmem_shared>>
      tpu.enqueue_indirect_dma source(%arg15 : memref<160x128xf32, #tpu.memory_space<vmem>>) target(%dma_start3A_564 : memref<10240x128xf32, #tpu.memory_space<vmem_shared>>) offsets(%arg13 : memref<160xi32, #tpu.memory_space<vmem>>) semaphore(%arg23 : memref<!tpu.dma_semaphore, #tpu.memory_space<semaphore_mem>>) {add = true}
      %dma_start3A_565 = arith.constant 0 : i32
      %dma_start3A_566 = arith.constant 0 : i32
      %dma_start3A_567 = tpu.memref_slice %arg4[%dma_start3A_565, %dma_start3A_566] : memref<20480x128xf32, #tpu.memory_space<hbm>> -> memref<20480x128xf32, #tpu.memory_space<hbm>>
      tpu.enqueue_indirect_dma source(%dma_start3A_567 : memref<20480x128xf32, #tpu.memory_space<hbm>>) target(%arg14 : memref<160x128xf32, #tpu.memory_space<vmem>>) offsets(%arg8 : memref<160xi32, #tpu.memory_space<vmem>>) semaphore(%arg20 : memref<!tpu.dma_semaphore, #tpu.memory_space<semaphore_mem>>)
      %add3A_568 = arith.constant 1 : i32
      %add3A_569 = arith.addi %add3A_388, %add3A_568 : i32
      %mul3A_570 = arith.constant 160 : i32
      %mul3A_571 = arith.muli %add3A_569, %mul3A_570 : i32
      %add3A_572 = arith.addi %mul3A_2, %mul3A_571 : i32
      %dma_start3A_573 = tpu.memref_slice %arg2[%add3A_572] : memref<163840xi32, #tpu.memory_space<hbm>> -> memref<160xi32, #tpu.memory_space<hbm>>
      %dma_start3A_574 = tpu.memref_slice %arg2[%add3A_572] : memref<163840xi32, #tpu.memory_space<hbm>> -> memref<160xi32, #tpu.memory_space<hbm>>
      tpu.enqueue_dma source(%dma_start3A_574 : memref<160xi32, #tpu.memory_space<hbm>>) target(%arg9 : memref<160xi32, #tpu.memory_space<vmem>>) target_semaphore(%arg17 : memref<!tpu.dma_semaphore, #tpu.memory_space<semaphore_mem>>)
      %dma_start3A_575 = tpu.memref_slice %arg3[%add3A_572] : memref<163840xi32, #tpu.memory_space<hbm>> -> memref<160xi32, #tpu.memory_space<hbm>>
      %dma_start3A_576 = tpu.memref_slice %arg3[%add3A_572] : memref<163840xi32, #tpu.memory_space<hbm>> -> memref<160xi32, #tpu.memory_space<hbm>>
      tpu.enqueue_dma source(%dma_start3A_576 : memref<160xi32, #tpu.memory_space<hbm>>) target(%arg11 : memref<160xi32, #tpu.memory_space<vmem>>) target_semaphore(%arg19 : memref<!tpu.dma_semaphore, #tpu.memory_space<semaphore_mem>>)
      %add3A_577 = arith.constant 1 : i32
      %add3A_578 = arith.addi %add3A_388, %add3A_577 : i32
      %mul3A_579 = arith.constant 160 : i32
      %mul3A_580 = arith.muli %add3A_578, %mul3A_579 : i32
      %add3A_581 = arith.addi %mul3A_2, %mul3A_580 : i32
      %dma_wait3A_582 = tpu.memref_slice %arg2[%add3A_581] : memref<163840xi32, #tpu.memory_space<hbm>> -> memref<160xi32, #tpu.memory_space<hbm>>
      %dma_wait3A_583 = tpu.memref_slice %arg2[%add3A_581] : memref<163840xi32, #tpu.memory_space<hbm>> -> memref<160xi32, #tpu.memory_space<hbm>>
      tpu.wait_dma2 semaphore(%arg17 : memref<!tpu.dma_semaphore, #tpu.memory_space<semaphore_mem>>) src(%dma_wait3A_583 : memref<160xi32, #tpu.memory_space<hbm>>) dst(%arg9 : memref<160xi32, #tpu.memory_space<vmem>>)
      %dma_wait3A_584 = tpu.memref_slice %arg3[%add3A_581] : memref<163840xi32, #tpu.memory_space<hbm>> -> memref<160xi32, #tpu.memory_space<hbm>>
      %dma_wait3A_585 = tpu.memref_slice %arg3[%add3A_581] : memref<163840xi32, #tpu.memory_space<hbm>> -> memref<160xi32, #tpu.memory_space<hbm>>
      tpu.wait_dma2 semaphore(%arg19 : memref<!tpu.dma_semaphore, #tpu.memory_space<semaphore_mem>>) src(%dma_wait3A_585 : memref<160xi32, #tpu.memory_space<hbm>>) dst(%arg11 : memref<160xi32, #tpu.memory_space<vmem>>)
      %dma_wait3A_586 = arith.constant 0 : i32
      %dma_wait3A_587 = arith.constant 0 : i32
      %dma_wait3A_588 = tpu.memref_slice %arg7[%dma_wait3A_586, %dma_wait3A_587] : memref<10240x128xf32, #tpu.memory_space<vmem_shared>> -> memref<10240x128xf32, #tpu.memory_space<vmem_shared>>
      tpu.wait_indirect_dma semaphore(%arg23 : memref<!tpu.dma_semaphore, #tpu.memory_space<semaphore_mem>>) src(%arg15 : memref<160x128xf32, #tpu.memory_space<vmem>>) dst(%dma_wait3A_588 : memref<10240x128xf32, #tpu.memory_space<vmem_shared>>)
      %get3A_589 = arith.constant 0 : index
      %get3A_590 = tpu.vector_load %arg9[%get3A_589] {strides = array<i32>} : memref<160xi32, #tpu.memory_space<vmem>>, vector<16xi32>,
      %get3A_591 = vector.shape_cast %get3A_590 : vector<16xi32> to vector<16xi32>
      %add3A_592 = vector.broadcast %mul3A_4 : i32 to vector<16xi32>
      %add3A_593 = arith.addi %get3A_591, %add3A_592 : vector<16xi32>
      %swap3A_594 = arith.constant 0 : index
      %swap3A_595 = tpu.vector_load %arg9[%swap3A_594] {strides = array<i32>} : memref<160xi32, #tpu.memory_space<vmem>>, vector<16xi32>,
      %swap3A_596 = vector.shape_cast %swap3A_595 : vector<16xi32> to vector<16xi32>
      %swap3A_597 = vector.shape_cast %add3A_593 : vector<16xi32> to vector<16xi32>
      tpu.vector_store %arg9[%swap3A_594], %swap3A_597 {strides = array<i32>} : memref<160xi32, #tpu.memory_space<vmem>>, vector<16xi32>,
      %get3A_598 = arith.constant 0 : index
      %get3A_599 = tpu.vector_load %arg11[%get3A_598] {strides = array<i32>} : memref<160xi32, #tpu.memory_space<vmem>>, vector<16xi32>,
      %get3A_600 = vector.shape_cast %get3A_599 : vector<16xi32> to vector<16xi32>
      %swap3A_601 = arith.constant 0 : index
      %swap3A_602 = tpu.vector_load %arg13[%swap3A_601] {strides = array<i32>} : memref<160xi32, #tpu.memory_space<vmem>>, vector<16xi32>,
      %swap3A_603 = vector.shape_cast %swap3A_602 : vector<16xi32> to vector<16xi32>
      %swap3A_604 = vector.shape_cast %get3A_600 : vector<16xi32> to vector<16xi32>
      tpu.vector_store %arg13[%swap3A_601], %swap3A_604 {strides = array<i32>} : memref<160xi32, #tpu.memory_space<vmem>>, vector<16xi32>,
      %get3A_605 = arith.constant 16 : index
      %get3A_606 = tpu.vector_load %arg9[%get3A_605] {strides = array<i32>} : memref<160xi32, #tpu.memory_space<vmem>>, vector<16xi32>,
      %get3A_607 = vector.shape_cast %get3A_606 : vector<16xi32> to vector<16xi32>
      %add3A_608 = vector.broadcast %mul3A_4 : i32 to vector<16xi32>
      %add3A_609 = arith.addi %get3A_607, %add3A_608 : vector<16xi32>
      %swap3A_610 = arith.constant 16 : index
      %swap3A_611 = tpu.vector_load %arg9[%swap3A_610] {strides = array<i32>} : memref<160xi32, #tpu.memory_space<vmem>>, vector<16xi32>,
      %swap3A_612 = vector.shape_cast %swap3A_611 : vector<16xi32> to vector<16xi32>
      %swap3A_613 = vector.shape_cast %add3A_609 : vector<16xi32> to vector<16xi32>
      tpu.vector_store %arg9[%swap3A_610], %swap3A_613 {strides = array<i32>} : memref<160xi32, #tpu.memory_space<vmem>>, vector<16xi32>,
      %get3A_614 = arith.constant 16 : index
      %get3A_615 = tpu.vector_load %arg11[%get3A_614] {strides = array<i32>} : memref<160xi32, #tpu.memory_space<vmem>>, vector<16xi32>,
      %get3A_616 = vector.shape_cast %get3A_615 : vector<16xi32> to vector<16xi32>
      %swap3A_617 = arith.constant 16 : index
      %swap3A_618 = tpu.vector_load %arg13[%swap3A_617] {strides = array<i32>} : memref<160xi32, #tpu.memory_space<vmem>>, vector<16xi32>,
      %swap3A_619 = vector.shape_cast %swap3A_618 : vector<16xi32> to vector<16xi32>
      %swap3A_620 = vector.shape_cast %get3A_616 : vector<16xi32> to vector<16xi32>
      tpu.vector_store %arg13[%swap3A_617], %swap3A_620 {strides = array<i32>} : memref<160xi32, #tpu.memory_space<vmem>>, vector<16xi32>,
      %get3A_621 = arith.constant 32 : index
      %get3A_622 = tpu.vector_load %arg9[%get3A_621] {strides = array<i32>} : memref<160xi32, #tpu.memory_space<vmem>>, vector<16xi32>,
      %get3A_623 = vector.shape_cast %get3A_622 : vector<16xi32> to vector<16xi32>
      %add3A_624 = vector.broadcast %mul3A_4 : i32 to vector<16xi32>
      %add3A_625 = arith.addi %get3A_623, %add3A_624 : vector<16xi32>
      %swap3A_626 = arith.constant 32 : index
      %swap3A_627 = tpu.vector_load %arg9[%swap3A_626] {strides = array<i32>} : memref<160xi32, #tpu.memory_space<vmem>>, vector<16xi32>,
      %swap3A_628 = vector.shape_cast %swap3A_627 : vector<16xi32> to vector<16xi32>
      %swap3A_629 = vector.shape_cast %add3A_625 : vector<16xi32> to vector<16xi32>
      tpu.vector_store %arg9[%swap3A_626], %swap3A_629 {strides = array<i32>} : memref<160xi32, #tpu.memory_space<vmem>>, vector<16xi32>,
      %get3A_630 = arith.constant 32 : index
      %get3A_631 = tpu.vector_load %arg11[%get3A_630] {strides = array<i32>} : memref<160xi32, #tpu.memory_space<vmem>>, vector<16xi32>,
      %get3A_632 = vector.shape_cast %get3A_631 : vector<16xi32> to vector<16xi32>
      %swap3A_633 = arith.constant 32 : index
      %swap3A_634 = tpu.vector_load %arg13[%swap3A_633] {strides = array<i32>} : memref<160xi32, #tpu.memory_space<vmem>>, vector<16xi32>,
      %swap3A_635 = vector.shape_cast %swap3A_634 : vector<16xi32> to vector<16xi32>
      %swap3A_636 = vector.shape_cast %get3A_632 : vector<16xi32> to vector<16xi32>
      tpu.vector_store %arg13[%swap3A_633], %swap3A_636 {strides = array<i32>} : memref<160xi32, #tpu.memory_space<vmem>>, vector<16xi32>,
      %get3A_637 = arith.constant 48 : index
      %get3A_638 = tpu.vector_load %arg9[%get3A_637] {strides = array<i32>} : memref<160xi32, #tpu.memory_space<vmem>>, vector<16xi32>,
      %get3A_639 = vector.shape_cast %get3A_638 : vector<16xi32> to vector<16xi32>
      %add3A_640 = vector.broadcast %mul3A_4 : i32 to vector<16xi32>
      %add3A_641 = arith.addi %get3A_639, %add3A_640 : vector<16xi32>
      %swap3A_642 = arith.constant 48 : index
      %swap3A_643 = tpu.vector_load %arg9[%swap3A_642] {strides = array<i32>} : memref<160xi32, #tpu.memory_space<vmem>>, vector<16xi32>,
      %swap3A_644 = vector.shape_cast %swap3A_643 : vector<16xi32> to vector<16xi32>
      %swap3A_645 = vector.shape_cast %add3A_641 : vector<16xi32> to vector<16xi32>
      tpu.vector_store %arg9[%swap3A_642], %swap3A_645 {strides = array<i32>} : memref<160xi32, #tpu.memory_space<vmem>>, vector<16xi32>,
      %get3A_646 = arith.constant 48 : index
      %get3A_647 = tpu.vector_load %arg11[%get3A_646] {strides = array<i32>} : memref<160xi32, #tpu.memory_space<vmem>>, vector<16xi32>,
      %get3A_648 = vector.shape_cast %get3A_647 : vector<16xi32> to vector<16xi32>
      %swap3A_649 = arith.constant 48 : index
      %swap3A_650 = tpu.vector_load %arg13[%swap3A_649] {strides = array<i32>} : memref<160xi32, #tpu.memory_space<vmem>>, vector<16xi32>,
      %swap3A_651 = vector.shape_cast %swap3A_650 : vector<16xi32> to vector<16xi32>
      %swap3A_652 = vector.shape_cast %get3A_648 : vector<16xi32> to vector<16xi32>
      tpu.vector_store %arg13[%swap3A_649], %swap3A_652 {strides = array<i32>} : memref<160xi32, #tpu.memory_space<vmem>>, vector<16xi32>,
      %get3A_653 = arith.constant 64 : index
      %get3A_654 = tpu.vector_load %arg9[%get3A_653] {strides = array<i32>} : memref<160xi32, #tpu.memory_space<vmem>>, vector<16xi32>,
      %get3A_655 = vector.shape_cast %get3A_654 : vector<16xi32> to vector<16xi32>
      %add3A_656 = vector.broadcast %mul3A_4 : i32 to vector<16xi32>
      %add3A_657 = arith.addi %get3A_655, %add3A_656 : vector<16xi32>
      %swap3A_658 = arith.constant 64 : index
      %swap3A_659 = tpu.vector_load %arg9[%swap3A_658] {strides = array<i32>} : memref<160xi32, #tpu.memory_space<vmem>>, vector<16xi32>,
      %swap3A_660 = vector.shape_cast %swap3A_659 : vector<16xi32> to vector<16xi32>
      %swap3A_661 = vector.shape_cast %add3A_657 : vector<16xi32> to vector<16xi32>
      tpu.vector_store %arg9[%swap3A_658], %swap3A_661 {strides = array<i32>} : memref<160xi32, #tpu.memory_space<vmem>>, vector<16xi32>,
      %get3A_662 = arith.constant 64 : index
      %get3A_663 = tpu.vector_load %arg11[%get3A_662] {strides = array<i32>} : memref<160xi32, #tpu.memory_space<vmem>>, vector<16xi32>,
      %get3A_664 = vector.shape_cast %get3A_663 : vector<16xi32> to vector<16xi32>
      %swap3A_665 = arith.constant 64 : index
      %swap3A_666 = tpu.vector_load %arg13[%swap3A_665] {strides = array<i32>} : memref<160xi32, #tpu.memory_space<vmem>>, vector<16xi32>,
      %swap3A_667 = vector.shape_cast %swap3A_666 : vector<16xi32> to vector<16xi32>
      %swap3A_668 = vector.shape_cast %get3A_664 : vector<16xi32> to vector<16xi32>
      tpu.vector_store %arg13[%swap3A_665], %swap3A_668 {strides = array<i32>} : memref<160xi32, #tpu.memory_space<vmem>>, vector<16xi32>,
      %get3A_669 = arith.constant 80 : index
      %get3A_670 = tpu.vector_load %arg9[%get3A_669] {strides = array<i32>} : memref<160xi32, #tpu.memory_space<vmem>>, vector<16xi32>,
      %get3A_671 = vector.shape_cast %get3A_670 : vector<16xi32> to vector<16xi32>
      %add3A_672 = vector.broadcast %mul3A_4 : i32 to vector<16xi32>
      %add3A_673 = arith.addi %get3A_671, %add3A_672 : vector<16xi32>
      %swap3A_674 = arith.constant 80 : index
      %swap3A_675 = tpu.vector_load %arg9[%swap3A_674] {strides = array<i32>} : memref<160xi32, #tpu.memory_space<vmem>>, vector<16xi32>,
      %swap3A_676 = vector.shape_cast %swap3A_675 : vector<16xi32> to vector<16xi32>
      %swap3A_677 = vector.shape_cast %add3A_673 : vector<16xi32> to vector<16xi32>
      tpu.vector_store %arg9[%swap3A_674], %swap3A_677 {strides = array<i32>} : memref<160xi32, #tpu.memory_space<vmem>>, vector<16xi32>,
      %get3A_678 = arith.constant 80 : index
      %get3A_679 = tpu.vector_load %arg11[%get3A_678] {strides = array<i32>} : memref<160xi32, #tpu.memory_space<vmem>>, vector<16xi32>,
      %get3A_680 = vector.shape_cast %get3A_679 : vector<16xi32> to vector<16xi32>
      %swap3A_681 = arith.constant 80 : index
      %swap3A_682 = tpu.vector_load %arg13[%swap3A_681] {strides = array<i32>} : memref<160xi32, #tpu.memory_space<vmem>>, vector<16xi32>,
      %swap3A_683 = vector.shape_cast %swap3A_682 : vector<16xi32> to vector<16xi32>
      %swap3A_684 = vector.shape_cast %get3A_680 : vector<16xi32> to vector<16xi32>
      tpu.vector_store %arg13[%swap3A_681], %swap3A_684 {strides = array<i32>} : memref<160xi32, #tpu.memory_space<vmem>>, vector<16xi32>,
      %get3A_685 = arith.constant 96 : index
      %get3A_686 = tpu.vector_load %arg9[%get3A_685] {strides = array<i32>} : memref<160xi32, #tpu.memory_space<vmem>>, vector<16xi32>,
      %get3A_687 = vector.shape_cast %get3A_686 : vector<16xi32> to vector<16xi32>
      %add3A_688 = vector.broadcast %mul3A_4 : i32 to vector<16xi32>
      %add3A_689 = arith.addi %get3A_687, %add3A_688 : vector<16xi32>
      %swap3A_690 = arith.constant 96 : index
      %swap3A_691 = tpu.vector_load %arg9[%swap3A_690] {strides = array<i32>} : memref<160xi32, #tpu.memory_space<vmem>>, vector<16xi32>,
      %swap3A_692 = vector.shape_cast %swap3A_691 : vector<16xi32> to vector<16xi32>
      %swap3A_693 = vector.shape_cast %add3A_689 : vector<16xi32> to vector<16xi32>
      tpu.vector_store %arg9[%swap3A_690], %swap3A_693 {strides = array<i32>} : memref<160xi32, #tpu.memory_space<vmem>>, vector<16xi32>,
      %get3A_694 = arith.constant 96 : index
      %get3A_695 = tpu.vector_load %arg11[%get3A_694] {strides = array<i32>} : memref<160xi32, #tpu.memory_space<vmem>>, vector<16xi32>,
      %get3A_696 = vector.shape_cast %get3A_695 : vector<16xi32> to vector<16xi32>
      %swap3A_697 = arith.constant 96 : index
      %swap3A_698 = tpu.vector_load %arg13[%swap3A_697] {strides = array<i32>} : memref<160xi32, #tpu.memory_space<vmem>>, vector<16xi32>,
      %swap3A_699 = vector.shape_cast %swap3A_698 : vector<16xi32> to vector<16xi32>
      %swap3A_700 = vector.shape_cast %get3A_696 : vector<16xi32> to vector<16xi32>
      tpu.vector_store %arg13[%swap3A_697], %swap3A_700 {strides = array<i32>} : memref<160xi32, #tpu.memory_space<vmem>>, vector<16xi32>,
      %get3A_701 = arith.constant 112 : index
      %get3A_702 = tpu.vector_load %arg9[%get3A_701] {strides = array<i32>} : memref<160xi32, #tpu.memory_space<vmem>>, vector<16xi32>,
      %get3A_703 = vector.shape_cast %get3A_702 : vector<16xi32> to vector<16xi32>
      %add3A_704 = vector.broadcast %mul3A_4 : i32 to vector<16xi32>
      %add3A_705 = arith.addi %get3A_703, %add3A_704 : vector<16xi32>
      %swap3A_706 = arith.constant 112 : index
      %swap3A_707 = tpu.vector_load %arg9[%swap3A_706] {strides = array<i32>} : memref<160xi32, #tpu.memory_space<vmem>>, vector<16xi32>,
      %swap3A_708 = vector.shape_cast %swap3A_707 : vector<16xi32> to vector<16xi32>
      %swap3A_709 = vector.shape_cast %add3A_705 : vector<16xi32> to vector<16xi32>
      tpu.vector_store %arg9[%swap3A_706], %swap3A_709 {strides = array<i32>} : memref<160xi32, #tpu.memory_space<vmem>>, vector<16xi32>,
      %get3A_710 = arith.constant 112 : index
      %get3A_711 = tpu.vector_load %arg11[%get3A_710] {strides = array<i32>} : memref<160xi32, #tpu.memory_space<vmem>>, vector<16xi32>,
      %get3A_712 = vector.shape_cast %get3A_711 : vector<16xi32> to vector<16xi32>
      %swap3A_713 = arith.constant 112 : index
      %swap3A_714 = tpu.vector_load %arg13[%swap3A_713] {strides = array<i32>} : memref<160xi32, #tpu.memory_space<vmem>>, vector<16xi32>,
      %swap3A_715 = vector.shape_cast %swap3A_714 : vector<16xi32> to vector<16xi32>
      %swap3A_716 = vector.shape_cast %get3A_712 : vector<16xi32> to vector<16xi32>
      tpu.vector_store %arg13[%swap3A_713], %swap3A_716 {strides = array<i32>} : memref<160xi32, #tpu.memory_space<vmem>>, vector<16xi32>,
      %get3A_717 = arith.constant 128 : index
      %get3A_718 = tpu.vector_load %arg9[%get3A_717] {strides = array<i32>} : memref<160xi32, #tpu.memory_space<vmem>>, vector<16xi32>,
      %get3A_719 = vector.shape_cast %get3A_718 : vector<16xi32> to vector<16xi32>
      %add3A_720 = vector.broadcast %mul3A_4 : i32 to vector<16xi32>
      %add3A_721 = arith.addi %get3A_719, %add3A_720 : vector<16xi32>
      %swap3A_722 = arith.constant 128 : index
      %swap3A_723 = tpu.vector_load %arg9[%swap3A_722] {strides = array<i32>} : memref<160xi32, #tpu.memory_space<vmem>>, vector<16xi32>,
      %swap3A_724 = vector.shape_cast %swap3A_723 : vector<16xi32> to vector<16xi32>
      %swap3A_725 = vector.shape_cast %add3A_721 : vector<16xi32> to vector<16xi32>
      tpu.vector_store %arg9[%swap3A_722], %swap3A_725 {strides = array<i32>} : memref<160xi32, #tpu.memory_space<vmem>>, vector<16xi32>,
      %get3A_726 = arith.constant 128 : index
      %get3A_727 = tpu.vector_load %arg11[%get3A_726] {strides = array<i32>} : memref<160xi32, #tpu.memory_space<vmem>>, vector<16xi32>,
      %get3A_728 = vector.shape_cast %get3A_727 : vector<16xi32> to vector<16xi32>
      %swap3A_729 = arith.constant 128 : index
      %swap3A_730 = tpu.vector_load %arg13[%swap3A_729] {strides = array<i32>} : memref<160xi32, #tpu.memory_space<vmem>>, vector<16xi32>,
      %swap3A_731 = vector.shape_cast %swap3A_730 : vector<16xi32> to vector<16xi32>
      %swap3A_732 = vector.shape_cast %get3A_728 : vector<16xi32> to vector<16xi32>
      tpu.vector_store %arg13[%swap3A_729], %swap3A_732 {strides = array<i32>} : memref<160xi32, #tpu.memory_space<vmem>>, vector<16xi32>,
      %get3A_733 = arith.constant 144 : index
      %get3A_734 = tpu.vector_load %arg9[%get3A_733] {strides = array<i32>} : memref<160xi32, #tpu.memory_space<vmem>>, vector<16xi32>,
      %get3A_735 = vector.shape_cast %get3A_734 : vector<16xi32> to vector<16xi32>
      %add3A_736 = vector.broadcast %mul3A_4 : i32 to vector<16xi32>
      %add3A_737 = arith.addi %get3A_735, %add3A_736 : vector<16xi32>
      %swap3A_738 = arith.constant 144 : index
      %swap3A_739 = tpu.vector_load %arg9[%swap3A_738] {strides = array<i32>} : memref<160xi32, #tpu.memory_space<vmem>>, vector<16xi32>,
      %swap3A_740 = vector.shape_cast %swap3A_739 : vector<16xi32> to vector<16xi32>
      %swap3A_741 = vector.shape_cast %add3A_737 : vector<16xi32> to vector<16xi32>
      tpu.vector_store %arg9[%swap3A_738], %swap3A_741 {strides = array<i32>} : memref<160xi32, #tpu.memory_space<vmem>>, vector<16xi32>,
      %get3A_742 = arith.constant 144 : index
      %get3A_743 = tpu.vector_load %arg11[%get3A_742] {strides = array<i32>} : memref<160xi32, #tpu.memory_space<vmem>>, vector<16xi32>,
      %get3A_744 = vector.shape_cast %get3A_743 : vector<16xi32> to vector<16xi32>
      %swap3A_745 = arith.constant 144 : index
      %swap3A_746 = tpu.vector_load %arg13[%swap3A_745] {strides = array<i32>} : memref<160xi32, #tpu.memory_space<vmem>>, vector<16xi32>,
      %swap3A_747 = vector.shape_cast %swap3A_746 : vector<16xi32> to vector<16xi32>
      %swap3A_748 = vector.shape_cast %get3A_744 : vector<16xi32> to vector<16xi32>
      tpu.vector_store %arg13[%swap3A_745], %swap3A_748 {strides = array<i32>} : memref<160xi32, #tpu.memory_space<vmem>>, vector<16xi32>,
      %dma_wait3A_749 = arith.constant 0 : i32
      %dma_wait3A_750 = arith.constant 0 : i32
      %dma_wait3A_751 = tpu.memref_slice %arg4[%dma_wait3A_749, %dma_wait3A_750] : memref<20480x128xf32, #tpu.memory_space<hbm>> -> memref<20480x128xf32, #tpu.memory_space<hbm>>
      tpu.wait_indirect_dma semaphore(%arg20 : memref<!tpu.dma_semaphore, #tpu.memory_space<semaphore_mem>>) src(%dma_wait3A_751 : memref<20480x128xf32, #tpu.memory_space<hbm>>) dst(%arg14 : memref<160x128xf32, #tpu.memory_space<vmem>>)
      %dma_start3A_752 = arith.constant 0 : i32
      %dma_start3A_753 = arith.constant 0 : i32
      %dma_start3A_754 = tpu.memref_slice %arg7[%dma_start3A_752, %dma_start3A_753] : memref<10240x128xf32, #tpu.memory_space<vmem_shared>> -> memref<10240x128xf32, #tpu.memory_space<vmem_shared>>
      tpu.enqueue_indirect_dma source(%arg14 : memref<160x128xf32, #tpu.memory_space<vmem>>) target(%dma_start3A_754 : memref<10240x128xf32, #tpu.memory_space<vmem_shared>>) offsets(%arg12 : memref<160xi32, #tpu.memory_space<vmem>>) semaphore(%arg22 : memref<!tpu.dma_semaphore, #tpu.memory_space<semaphore_mem>>) {add = true}
      %dma_start3A_755 = arith.constant 0 : i32
      %dma_start3A_756 = arith.constant 0 : i32
      %dma_start3A_757 = tpu.memref_slice %arg4[%dma_start3A_755, %dma_start3A_756] : memref<20480x128xf32, #tpu.memory_space<hbm>> -> memref<20480x128xf32, #tpu.memory_space<hbm>>
      tpu.enqueue_indirect_dma source(%dma_start3A_757 : memref<20480x128xf32, #tpu.memory_space<hbm>>) target(%arg15 : memref<160x128xf32, #tpu.memory_space<vmem>>) offsets(%arg9 : memref<160xi32, #tpu.memory_space<vmem>>) semaphore(%arg21 : memref<!tpu.dma_semaphore, #tpu.memory_space<semaphore_mem>>)
      %add3A_758 = arith.constant 2 : i32
      %add3A_759 = arith.addi %add3A_388, %add3A_758 : i32
      %lt3A = arith.constant 64 : i32
      %lt3A_760 = arith.cmpi slt, %add3A_759, %lt3A : i32
      %convert_element_type3A = arith.extui %lt3A_760 : i1 to i32
      %cond3A = arith.constant 0 : i32
      %cond3A_761 = arith.cmpi ne, %convert_element_type3A, %cond3A : i32
      scf.if %cond3A_761 {
        %add3A_762 = arith.constant 2 : i32
        %add3A_763 = arith.addi %add3A_388, %add3A_762 : i32
        %mul3A_764 = arith.constant 160 : i32
        %mul3A_765 = arith.muli %add3A_763, %mul3A_764 : i32
        %add3A_766 = arith.addi %mul3A_2, %mul3A_765 : i32
        %dma_start3A_767 = tpu.memref_slice %arg2[%add3A_766] : memref<163840xi32, #tpu.memory_space<hbm>> -> memref<160xi32, #tpu.memory_space<hbm>>
        %dma_start3A_768 = tpu.memref_slice %arg2[%add3A_766] : memref<163840xi32, #tpu.memory_space<hbm>> -> memref<160xi32, #tpu.memory_space<hbm>>
        tpu.enqueue_dma source(%dma_start3A_768 : memref<160xi32, #tpu.memory_space<hbm>>) target(%arg8 : memref<160xi32, #tpu.memory_space<vmem>>) target_semaphore(%arg16 : memref<!tpu.dma_semaphore, #tpu.memory_space<semaphore_mem>>)
        %dma_start3A_769 = tpu.memref_slice %arg3[%add3A_766] : memref<163840xi32, #tpu.memory_space<hbm>> -> memref<160xi32, #tpu.memory_space<hbm>>
        %dma_start3A_770 = tpu.memref_slice %arg3[%add3A_766] : memref<163840xi32, #tpu.memory_space<hbm>> -> memref<160xi32, #tpu.memory_space<hbm>>
        tpu.enqueue_dma source(%dma_start3A_770 : memref<160xi32, #tpu.memory_space<hbm>>) target(%arg10 : memref<160xi32, #tpu.memory_space<vmem>>) target_semaphore(%arg18 : memref<!tpu.dma_semaphore, #tpu.memory_space<semaphore_mem>>)
      } else {
      }
    }
    %scan3A_365 = arith.constant 31 : i32
    %dma_wait3A_366 = arith.constant 0 : i32
    %dma_wait3A_367 = arith.constant 0 : i32
    %dma_wait3A_368 = tpu.memref_slice %arg4[%dma_wait3A_366, %dma_wait3A_367] : memref<20480x128xf32, #tpu.memory_space<hbm>> -> memref<20480x128xf32, #tpu.memory_space<hbm>>
    tpu.wait_indirect_dma semaphore(%arg21 : memref<!tpu.dma_semaphore, #tpu.memory_space<semaphore_mem>>) src(%dma_wait3A_368 : memref<20480x128xf32, #tpu.memory_space<hbm>>) dst(%arg15 : memref<160x128xf32, #tpu.memory_space<vmem>>)
    %dma_start3A_369 = arith.constant 0 : i32
    %dma_start3A_370 = arith.constant 0 : i32
    %dma_start3A_371 = tpu.memref_slice %arg7[%dma_start3A_369, %dma_start3A_370] : memref<10240x128xf32, #tpu.memory_space<vmem_shared>> -> memref<10240x128xf32, #tpu.memory_space<vmem_shared>>
    tpu.enqueue_indirect_dma source(%arg15 : memref<160x128xf32, #tpu.memory_space<vmem>>) target(%dma_start3A_371 : memref<10240x128xf32, #tpu.memory_space<vmem_shared>>) offsets(%arg13 : memref<160xi32, #tpu.memory_space<vmem>>) semaphore(%arg23 : memref<!tpu.dma_semaphore, #tpu.memory_space<semaphore_mem>>) {add = true}
    %dma_wait3A_372 = arith.constant 0 : i32
    %dma_wait3A_373 = arith.constant 0 : i32
    %dma_wait3A_374 = tpu.memref_slice %arg7[%dma_wait3A_372, %dma_wait3A_373] : memref<10240x128xf32, #tpu.memory_space<vmem_shared>> -> memref<10240x128xf32, #tpu.memory_space<vmem_shared>>
    tpu.wait_indirect_dma semaphore(%arg22 : memref<!tpu.dma_semaphore, #tpu.memory_space<semaphore_mem>>) src(%arg14 : memref<160x128xf32, #tpu.memory_space<vmem>>) dst(%dma_wait3A_374 : memref<10240x128xf32, #tpu.memory_space<vmem_shared>>)
    %dma_wait3A_375 = arith.constant 0 : i32
    %dma_wait3A_376 = arith.constant 0 : i32
    %dma_wait3A_377 = tpu.memref_slice %arg7[%dma_wait3A_375, %dma_wait3A_376] : memref<10240x128xf32, #tpu.memory_space<vmem_shared>> -> memref<10240x128xf32, #tpu.memory_space<vmem_shared>>
    tpu.wait_indirect_dma semaphore(%arg23 : memref<!tpu.dma_semaphore, #tpu.memory_space<semaphore_mem>>) src(%arg15 : memref<160x128xf32, #tpu.memory_space<vmem>>) dst(%dma_wait3A_377 : memref<10240x128xf32, #tpu.memory_space<vmem_shared>>)
    %barrier3A_378 = arith.constant 0 : index
    tpu.barrier barrier_id(%barrier3A_378)
    %add3A_379 = arith.addi %mul3A_4, %mul3A_0 : i32
    "tpu.region"() ({
      %run_scoped3A = tpu.sem_alloc : memref<!tpu.dma_semaphore, #tpu.memory_space<semaphore_mem>>
      %dma_start3A_380 = arith.constant 0 : i32
      %dma_start3A_381 = tpu.memref_slice %arg6[%add3A_379, %dma_start3A_380] : memref<20480x128xf32, #tpu.memory_space<hbm>> -> memref<640x128xf32, #tpu.memory_space<hbm>>
      %dma_start3A_382 = arith.constant 0 : i32
      %dma_start3A_383 = tpu.memref_slice %arg7[%mul3A_0, %dma_start3A_382] : memref<10240x128xf32, #tpu.memory_space<vmem_shared>> -> memref<640x128xf32, #tpu.memory_space<vmem_shared>>
      tpu.enqueue_dma source(%dma_start3A_383 : memref<640x128xf32, #tpu.memory_space<vmem_shared>>) target(%dma_start3A_381 : memref<640x128xf32, #tpu.memory_space<hbm>>) target_semaphore(%run_scoped3A : memref<!tpu.dma_semaphore, #tpu.memory_space<semaphore_mem>>)
      %dma_wait3A_384 = arith.constant 0 : i32
      %dma_wait3A_385 = tpu.memref_slice %arg6[%add3A_379, %dma_wait3A_384] : memref<20480x128xf32, #tpu.memory_space<hbm>> -> memref<640x128xf32, #tpu.memory_space<hbm>>
      %dma_wait3A_386 = arith.constant 0 : i32
      %dma_wait3A_387 = tpu.memref_slice %arg7[%mul3A_0, %dma_wait3A_386] : memref<10240x128xf32, #tpu.memory_space<vmem_shared>> -> memref<640x128xf32, #tpu.memory_space<vmem_shared>>
      tpu.wait_dma2 semaphore(%run_scoped3A : memref<!tpu.dma_semaphore, #tpu.memory_space<semaphore_mem>>) src(%dma_wait3A_387 : memref<640x128xf32, #tpu.memory_space<vmem_shared>>) dst(%dma_wait3A_385 : memref<640x128xf32, #tpu.memory_space<hbm>>)
      tpu.yield
    }) : () -> ()
    return
  }
}

module attributes {stable_mosaic.version = 14 : i64} {
  func.func @_scale_body(%arg0: i32, %arg1: i32, %arg2: memref<1280x128xf32, #tpu.memory_space<vmem>>, %arg3: memref<1280x1xi32, #tpu.memory_space<vmem>>, %arg4: memref<1280x128xf32, #tpu.memory_space<vmem>>) attributes {dimension_semantics = [#tpu.dimension_semantics<arbitrary>, #tpu.dimension_semantics<arbitrary>], iteration_bounds = array<i64: 8, 2>, scalar_prefetch = 0 : i64, scratch_operands = 0 : i64, tpu.core_type = #tpu.core_type<tc>, window_params = [{transform_indices = @transform_0, window_bounds = array<i64: 1280, 128>}, {transform_indices = @transform_1, window_bounds = array<i64: 1280, 1>}, {transform_indices = @transform_2, window_bounds = array<i64: 1280, 128>}]} {
    %get3A = arith.constant 0 : index
    %get3A_0 = arith.constant 0 : index
    %get3A_1 = vector.load %arg3[%get3A, %get3A_0] : memref<1280x1xi32, #tpu.memory_space<vmem>>, vector<1280x1xi32>
    %convert_element_type3A = arith.sitofp %get3A_1 : vector<1280x1xi32> to vector<1280x1xf32>
    %max3A = arith.constant 1.000000e+00 : f32
    %max3A_2 = vector.broadcast %max3A : f32 to vector<1280x1xf32>
    %max3A_3 = arith.maximumf %convert_element_type3A, %max3A_2 : vector<1280x1xf32>
    %rsqrt3A = math.rsqrt %max3A_3 : vector<1280x1xf32>
    %get3A_4 = arith.constant 0 : index
    %get3A_5 = arith.constant 0 : index
    %get3A_6 = vector.load %arg2[%get3A_4, %get3A_5] : memref<1280x128xf32, #tpu.memory_space<vmem>>, vector<1280x128xf32>
    %mul3A = vector.broadcast %rsqrt3A : vector<1280x1xf32> to vector<1280x128xf32>
    %mul3A_7 = arith.mulf %get3A_6, %mul3A : vector<1280x128xf32>
    %swap3A = arith.constant 0 : index
    %swap3A_8 = arith.constant 0 : index
    %swap3A_9 = vector.load %arg4[%swap3A, %swap3A_8] : memref<1280x128xf32, #tpu.memory_space<vmem>>, vector<1280x128xf32>
    tpu.vector_store %arg4[%swap3A, %swap3A_8], %mul3A_7 {strides = array<i32>} : memref<1280x128xf32, #tpu.memory_space<vmem>>, vector<1280x128xf32>,
    return
  }
  func.func @transform_0(%arg0: i32, %arg1: i32) -> (i32, i32) {
    %c0_i32 = arith.constant 0 : i32
    return %arg0, %arg1 : i32, i32
  }
  func.func @transform_1(%arg0: i32, %arg1: i32) -> (i32, i32) {
    %c0_i32 = arith.constant 0 : i32
    %c0_i32_0 = arith.constant 0 : i32
    return %arg0, %c0_i32 : i32, i32
  }
  func.func @transform_2(%arg0: i32, %arg1: i32) -> (i32, i32) {
    %mul3A = arith.constant 8 : i32
    %mul3A_0 = arith.muli %arg1, %mul3A : i32
    %add3A = arith.addi %mul3A_0, %arg0 : i32
    %c0_i32 = arith.constant 0 : i32
    %c0_i32_1 = arith.constant 0 : i32
    return %add3A, %c0_i32 : i32, i32
  }
}

module attributes {stable_mosaic.version = 14 : i64} {
  func.func @_final_body(%arg0: i32, %arg1: memref<1280x256xf32, #tpu.memory_space<vmem>>, %arg2: memref<1280x128xf32, #tpu.memory_space<vmem>>, %arg3: memref<1280x128xf32, #tpu.memory_space<vmem>>, %arg4: memref<1280x1xi32, #tpu.memory_space<vmem>>, %arg5: memref<256x256xf32, #tpu.memory_space<vmem>>, %arg6: memref<256x256xf32, #tpu.memory_space<vmem>>, %arg7: memref<1x256xf32, #tpu.memory_space<vmem>>, %arg8: memref<1x256xf32, #tpu.memory_space<vmem>>, %arg9: memref<1280x256xf32, #tpu.memory_space<vmem>>) attributes {dimension_semantics = [#tpu.dimension_semantics<arbitrary>], iteration_bounds = array<i64: 8>, scalar_prefetch = 0 : i64, scratch_operands = 0 : i64, tpu.core_type = #tpu.core_type<tc>, window_params = [{transform_indices = @transform_0, window_bounds = array<i64: 1280, 256>}, {transform_indices = @transform_1, window_bounds = array<i64: 1280, 128>}, {transform_indices = @transform_2, window_bounds = array<i64: 1280, 128>}, {transform_indices = @transform_3, window_bounds = array<i64: 1280, 1>}, {pipeline_mode = #tpu.pipeline_mode<synchronous>, transform_indices = @transform_4, window_bounds = array<i64: 256, 256>}, {pipeline_mode = #tpu.pipeline_mode<synchronous>, transform_indices = @transform_5, window_bounds = array<i64: 256, 256>}, {pipeline_mode = #tpu.pipeline_mode<synchronous>, transform_indices = @transform_6, window_bounds = array<i64: 1, 256>}, {pipeline_mode = #tpu.pipeline_mode<synchronous>, transform_indices = @transform_7, window_bounds = array<i64: 1, 256>}, {transform_indices = @transform_8, window_bounds = array<i64: 1280, 256>}]} {
    %get3A = arith.constant 0 : index
    %get3A_0 = arith.constant 0 : index
    %get3A_1 = vector.load %arg4[%get3A, %get3A_0] : memref<1280x1xi32, #tpu.memory_space<vmem>>, vector<1280x1xi32>
    %convert_element_type3A = arith.sitofp %get3A_1 : vector<1280x1xi32> to vector<1280x1xf32>
    %max3A = arith.constant 1.000000e+00 : f32
    %max3A_2 = vector.broadcast %max3A : f32 to vector<1280x1xf32>
    %max3A_3 = arith.maximumf %convert_element_type3A, %max3A_2 : vector<1280x1xf32>
    %rsqrt3A = math.rsqrt %max3A_3 : vector<1280x1xf32>
    %get3A_4 = arith.constant 0 : index
    %get3A_5 = arith.constant 0 : index
    %get3A_6 = vector.load %arg2[%get3A_4, %get3A_5] : memref<1280x128xf32, #tpu.memory_space<vmem>>, vector<1280x128xf32>
    %get3A_7 = arith.constant 0 : index
    %get3A_8 = arith.constant 0 : index
    %get3A_9 = vector.load %arg3[%get3A_7, %get3A_8] : memref<1280x128xf32, #tpu.memory_space<vmem>>, vector<1280x128xf32>
    %concatenate3A = tpu.concatenate %get3A_6, %get3A_9 in 1 : vector<1280x128xf32>, vector<1280x128xf32> -> vector<1280x256xf32>
    %mul3A = vector.broadcast %rsqrt3A : vector<1280x1xf32> to vector<1280x256xf32>
    %mul3A_10 = arith.mulf %mul3A, %concatenate3A : vector<1280x256xf32>
    %get3A_11 = arith.constant 0 : index
    %get3A_12 = arith.constant 0 : index
    %get3A_13 = vector.load %arg1[%get3A_11, %get3A_12] : memref<1280x256xf32, #tpu.memory_space<vmem>>, vector<1280x256xf32>
    %mul3A_14 = arith.mulf %mul3A_10, %get3A_13 : vector<1280x256xf32>
    %get3A_15 = arith.constant 0 : index
    %get3A_16 = arith.constant 0 : index
    %get3A_17 = vector.load %arg5[%get3A_15, %get3A_16] : memref<256x256xf32, #tpu.memory_space<vmem>>, vector<256x256xf32>
    %dot_general3A = arith.constant dense<0.000000e+00> : vector<1280x256xf32>
    %dot_general3A_18 = tpu.matmul %mul3A_14, %get3A_17, %dot_general3A {dimension_numbers = #tpu.dot_dimension_numbers<[1], [0], [0], [1], [0, 0, 1, 1], [], []>, transpose_lhs_hint = false} : vector<1280x256xf32>, vector<256x256xf32>, vector<1280x256xf32> -> vector<1280x256xf32>
    %add3A = arith.addf %mul3A_10, %get3A_13 : vector<1280x256xf32>
    %get3A_19 = arith.constant 0 : index
    %get3A_20 = arith.constant 0 : index
    %get3A_21 = vector.load %arg6[%get3A_19, %get3A_20] : memref<256x256xf32, #tpu.memory_space<vmem>>, vector<256x256xf32>
    %dot_general3A_22 = arith.constant dense<0.000000e+00> : vector<1280x256xf32>
    %dot_general3A_23 = tpu.matmul %add3A, %get3A_21, %dot_general3A_22 {dimension_numbers = #tpu.dot_dimension_numbers<[1], [0], [0], [1], [0, 0, 1, 1], [], []>, transpose_lhs_hint = false} : vector<1280x256xf32>, vector<256x256xf32>, vector<1280x256xf32> -> vector<1280x256xf32>
    %add3A_24 = arith.addf %dot_general3A_18, %dot_general3A_23 : vector<1280x256xf32>
    %mul3A_25 = arith.mulf %rsqrt3A, %convert_element_type3A : vector<1280x1xf32>
    %get3A_26 = arith.constant 0 : index
    %get3A_27 = arith.constant 0 : index
    %get3A_28 = vector.load %arg7[%get3A_26, %get3A_27] : memref<1x256xf32, #tpu.memory_space<vmem>>, vector<1x256xf32>
    %mul3A_29 = vector.broadcast %mul3A_25 : vector<1280x1xf32> to vector<1280x256xf32>
    %mul3A_30 = vector.broadcast %get3A_28 : vector<1x256xf32> to vector<1280x256xf32>
    %mul3A_31 = arith.mulf %mul3A_29, %mul3A_30 : vector<1280x256xf32>
    %add3A_32 = arith.addf %add3A_24, %mul3A_31 : vector<1280x256xf32>
    %get3A_33 = arith.constant 0 : index
    %get3A_34 = arith.constant 0 : index
    %get3A_35 = vector.load %arg8[%get3A_33, %get3A_34] : memref<1x256xf32, #tpu.memory_space<vmem>>, vector<1x256xf32>
    %add3A_36 = vector.broadcast %get3A_35 : vector<1x256xf32> to vector<1280x256xf32>
    %add3A_37 = arith.addf %add3A_32, %add3A_36 : vector<1280x256xf32>
    %swap3A = arith.constant 0 : index
    %swap3A_38 = arith.constant 0 : index
    %swap3A_39 = vector.load %arg9[%swap3A, %swap3A_38] : memref<1280x256xf32, #tpu.memory_space<vmem>>, vector<1280x256xf32>
    tpu.vector_store %arg9[%swap3A, %swap3A_38], %add3A_37 {strides = array<i32>} : memref<1280x256xf32, #tpu.memory_space<vmem>>, vector<1280x256xf32>,
    return
  }
  func.func @transform_0(%arg0: i32) -> (i32, i32) {
    %c0_i32 = arith.constant 0 : i32
    %c0_i32_0 = arith.constant 0 : i32
    return %arg0, %c0_i32 : i32, i32
  }
  func.func @transform_1(%arg0: i32) -> (i32, i32) {
    %c0_i32 = arith.constant 0 : i32
    %c0_i32_0 = arith.constant 0 : i32
    return %arg0, %c0_i32 : i32, i32
  }
  func.func @transform_2(%arg0: i32) -> (i32, i32) {
    %add3A = arith.constant 8 : i32
    %add3A_0 = arith.addi %add3A, %arg0 : i32
    %c0_i32 = arith.constant 0 : i32
    %c0_i32_1 = arith.constant 0 : i32
    return %add3A_0, %c0_i32 : i32, i32
  }
  func.func @transform_3(%arg0: i32) -> (i32, i32) {
    %c0_i32 = arith.constant 0 : i32
    %c0_i32_0 = arith.constant 0 : i32
    return %arg0, %c0_i32 : i32, i32
  }
  func.func @transform_4(%arg0: i32) -> (i32, i32) {
    %c0_i32 = arith.constant 0 : i32
    %c0_i32_0 = arith.constant 0 : i32
    %c0_i32_1 = arith.constant 0 : i32
    return %c0_i32, %c0_i32_0 : i32, i32
  }
  func.func @transform_5(%arg0: i32) -> (i32, i32) {
    %c0_i32 = arith.constant 0 : i32
    %c0_i32_0 = arith.constant 0 : i32
    %c0_i32_1 = arith.constant 0 : i32
    return %c0_i32, %c0_i32_0 : i32, i32
  }
  func.func @transform_6(%arg0: i32) -> (i32, i32) {
    %c0_i32 = arith.constant 0 : i32
    %c0_i32_0 = arith.constant 0 : i32
    %c0_i32_1 = arith.constant 0 : i32
    return %c0_i32, %c0_i32_0 : i32, i32
  }
  func.func @transform_7(%arg0: i32) -> (i32, i32) {
    %c0_i32 = arith.constant 0 : i32
    %c0_i32_0 = arith.constant 0 : i32
    %c0_i32_1 = arith.constant 0 : i32
    return %c0_i32, %c0_i32_0 : i32, i32
  }
  func.func @transform_8(%arg0: i32) -> (i32, i32) {
    %c0_i32 = arith.constant 0 : i32
    %c0_i32_0 = arith.constant 0 : i32
    return %arg0, %c0_i32 : i32, i32
  }
}

</mosaic_0001>

<sc_bundles>
// kernel: kernel.6.cloned.1.call-start
scs
__scs_entry_jumppad:
0x0: {  	(pc) =	sbr.rel $0x88, $3  }
0x1: {  	(tag) =	ssettag $0x0;
	lr =	simm.s32 $0x1  }
0x2: {  	[smem:$0x3F9B] =	sst lr;
	_ =	strace $0xD0000000  }
0x3: {  	_ = 	snop  }
0x4: {  	_ = 	snop  }
0x5: {  	_ = 	snop  }
0x6: {  	_ = 	snop  }
0x7: {  	_ = 	snop  }
__scs_overlays_trampoline_lowered:
0x8: {  	[smem:$0x3FAA] =	sst s0  }
0x9: {  	[smem:$0x3FAB] =	sst s1  }
0xa: {  	[smem:$0x3FAC] =	sst s2  }
0xb: {  	[smem:$0x3FAD] =	sst s3  }
0xc: {  	[smem:$0x3FAE] =	sst s4  }
0xd: {  	[smem:$0x3FAF] =	sst s5  }
0xe: {  	[smem:$0x3FB0] =	sst s6  }
0xf: {  	[smem:$0x3FB1] =	sst s7  }
0x10: {  	[smem:$0x3FB2] =	sst s8  }
0x11: {  	[smem:$0x3FB3] =	sst s9;
	s0 =	simm.s32 @!p0 $0x0  }
0x12: {  	s1 =	sld [smem:$0x3F99];
	s0 =	simm.s32 @p0 $0x1  }
0x13: {  	[smem:$0x3FB4] =	sst s0;
	s0 =	simm.s32 @!p1 $0x0  }
0x14: {  	s2 =	sld [smem:$0x3F98];
	s0 =	simm.s32 @p1 $0x1  }
0x15: {  	[smem:$0x3FB5] =	sst s0;
	s0 =	simm.s32 @!p2 $0x0  }
0x16: {  	s3 =	sld [smem:$0x3FDB];
	s0 =	simm.s32 @p2 $0x1  }
0x17: {  	s4 =	simm.s32 $0x1BF5;
	[smem:$0x3FB7] =	sst s0  }
0x18: {  	s0 =	sld [smem:$0x3F9A];
	_ =	swait.ge [sflag:s4], $0x0  }
0x19: {  	s7 =	sld [smem:$0x3F9B]  }
0x1a: {  	s8 =	sadd.s32 $0xFFFFE003, lr  }
0x1b: {  	s9 =	sadd.s32 $0xFFFFFEF7, lr;
	s5 =	simm.s32 $0xFFFFFFFF;
	p2 =	slt.u32 s8, $0xFFFFF086  }
0x1c: {  	p1 =	slt.u32 s9, $0xF7A;
	s5 =	simm.s32 @!p2 $0x0  }
0x1d: {  	s5 =	simm.s32 @p1 $0x1;
	p0 =	seq.s32 s7, s2  }
0x1e: {  	s7 =	smul.u32 @!p0 $0xF7A, s2;
	p2 =	seq.s32 @!p0 s5, $0x0  }
0x1f: {  	s9 =	smul.u32 $0xF7A, s1;
	s8 =	simm.s32 @!p0 $0x1BF5;
	p2 =	por !p2, p0  }
0x20: {  	[sflag:s8] =	ssyncset.s32 @!p0 $0xFFFFF086;
	s6 =	sadd.s32 @!p0 s3, s7;
	s7 =	simm.s32 @!p0 $0x108  }
0x21: {  	s3 =	sadd.s32 s3, s9;
	s6 =	sadd.s32 @!p0 $0x88, s6;
	s7 =	simm.s32 @p2 $0x1082  }
0x22: {  	[simem:s7], [sflag:s8] =	dma.local @!p0 [hbm:s6], $0xF7A  }
0x23: {  	s9 =	sor.u32 $0xD0000000, s2;
	s6 =	simm.s32 $0x108;
	_ =	swait.ge @!p0 [sflag:s8], $0x0  }
0x24: {  	s3 =	sadd.s32 $0x88, s3;
	s6 =	simm.s32 @!p1 $0x1082;
	[sflag:s4] =	ssyncset.s32 $0xFFFFF086  }
0x25: {  	[simem:s6], [sflag:s4] =	dma.local [hbm:s3], $0xF7A  }
0x26: {  	[smem:$0x3F9B] =	sst s1;
	(tag) =	ssettag s2;
	_ =	strace s9  }
0x27: {  	s1 =	sld [smem:$0x3FAB]  }
0x28: {  	s2 =	sld [smem:$0x3FAC]  }
0x29: {  	s4 =	sld [smem:$0x3FAE]  }
0x2a: {  	p0 =	seq.s32 s5, $0x0;
	s5 =	sld [smem:$0x3FAF]  }
0x2b: {  	s6 =	sld [smem:$0x3FB0]  }
0x2c: {  	s7 =	sld [smem:$0x3FB1]  }
0x2d: {  	s3 =	simm.s32 $0x108;
	s8 =	sld [smem:$0x3FB2]  }
0x2e: {  	s3 =	simm.s32 @!p0 $0x1082;
	s9 =	sld [smem:$0x3FB3]  }
0x2f: {  	lr =	sadd.s32 s0, s3;
	s0 =	sld [smem:$0x3FAA]  }
0x30: {  	s3 =	sld [smem:$0x3FAD]  }
0x31: {  	[smem:$0x3FB6] =	sst s10  }
0x32: {  	s10 =	sld [smem:$0x3FB4];
	_ =	sdelay $0x3  }
0x33: {  	p0 =	seq.s32 s10, $0x1;
	s10 =	sld [smem:$0x3FB6];
	_ =	sdelay $0x3  }
0x34: {  	[smem:$0x3FB6] =	sst s10  }
0x35: {  	s10 =	sld [smem:$0x3FB5];
	_ =	sdelay $0x3  }
0x36: {  	p1 =	seq.s32 s10, $0x1;
	s10 =	sld [smem:$0x3FB6];
	_ =	sdelay $0x3  }
0x37: {  	[smem:$0x3FB6] =	sst s10  }
0x38: {  	s10 =	sld [smem:$0x3FB7]  }
0x39: {  	_ = 	snop;
	(pc) =	sbr.ind lr, $3  }
0x3a: {  	_ = 	snop  }
0x3b: {  	_ = 	snop  }
0x3c: {  	p2 =	seq.s32 s10, $0x1;
	s10 =	sld [smem:$0x3FB6]  }
0x3d: {  	_ =	shalt  }
0x3e: {  	_ =	shalt  }
0x3f: {  	_ =	shalt  }
0x40: {  	_ =	shalt  }
0x41: {  	_ =	shalt  }
0x42: {  	_ =	shalt  }
0x43: {  	_ =	shalt  }
0x44: {  	_ =	shalt  }
0x45: {  	_ =	shalt  }
0x46: {  	_ =	shalt  }
0x47: {  	_ =	shalt  }
0x48: {  	_ =	shalt  }
0x49: {  	_ =	shalt  }
0x4a: {  	_ =	shalt  }
0x4b: {  	_ =	shalt  }
0x4c: {  	_ =	shalt  }
0x4d: {  	_ =	shalt  }
0x4e: {  	_ =	shalt  }
0x4f: {  	_ =	shalt  }
0x50: {  	_ =	shalt  }
0x51: {  	_ =	shalt  }
0x52: {  	_ =	shalt  }
0x53: {  	_ =	shalt  }
0x54: {  	_ =	shalt  }
0x55: {  	_ =	shalt  }
0x56: {  	_ =	shalt  }
0x57: {  	_ =	shalt  }
0x58: {  	_ =	shalt  }
0x59: {  	_ =	shalt  }
0x5a: {  	_ =	shalt  }
0x5b: {  	_ =	shalt  }
0x5c: {  	_ =	shalt  }
0x5d: {  	_ =	shalt  }
0x5e: {  	_ =	shalt  }
0x5f: {  	_ =	shalt  }
0x60: {  	_ =	shalt  }
0x61: {  	_ =	shalt  }
0x62: {  	_ =	shalt  }
0x63: {  	_ =	shalt  }
0x64: {  	_ =	shalt  }
0x65: {  	_ =	shalt  }
0x66: {  	_ =	shalt  }
0x67: {  	_ =	shalt  }
0x68: {  	_ =	shalt  }
0x69: {  	_ =	shalt  }
0x6a: {  	_ =	shalt  }
0x6b: {  	_ =	shalt  }
0x6c: {  	_ =	shalt  }
0x6d: {  	_ =	shalt  }
0x6e: {  	_ =	shalt  }
0x6f: {  	_ =	shalt  }
0x70: {  	_ =	shalt  }
0x71: {  	_ =	shalt  }
0x72: {  	_ =	shalt  }
0x73: {  	_ =	shalt  }
0x74: {  	_ =	shalt  }
0x75: {  	_ =	shalt  }
0x76: {  	_ =	shalt  }
0x77: {  	_ =	shalt  }
0x78: {  	_ =	shalt  }
0x79: {  	_ =	shalt  }
0x7a: {  	_ =	shalt  }
0x7b: {  	_ =	shalt  }
0x7c: {  	_ =	shalt  }
0x7d: {  	_ =	shalt  }
0x7e: {  	_ =	shalt  }
0x7f: {  	_ =	shalt  }
0x80: {  	_ =	shalt  }
0x81: {  	_ =	shalt  }
0x82: {  	_ =	shalt  }
0x83: {  	_ =	shalt  }
0x84: {  	_ =	shalt  }
0x85: {  	_ =	shalt  }
0x86: {  	_ =	shalt  }
0x87: {  	_ =	shalt  }
.Lfunc_end0:
.L_simem_size_0:
called_computation_lowered:
.L_overlay_start_0:
0x88: {  	s2 =	sld [smem:$0x3FD9]  }
0x89: {  	s3 =	sld [smem:$0x3FFE];
	_ =	sdelay $0x1  }
0x8a: {  	s1 =	srdreg.scid  }
0x8b: {  	s0 =	sand.u32 $0x1, s1  }
0x8c: {  	s17 =	sshll.u32 s0, $0xA;
	s2 =	sadd.s32 s3, s2  }
0x8d: {  	s2 =	sadd.s32 s2, s17  }
0x8e: {  	[smem:$0x3FC2] =	sst s2  }
0x8f: {  	_ = 	snop  }
0x90: {  	s2 =	sld [smem:$0x3FD0];
	(tm) =	ssettm $0x1  }
0x91: {  	s18 =	sld [smem:$0x3FFB];
	_ =	sdelay $0x3  }
0x92: {  	_ =	strace s18  }
0x93: {  	s3 =	sld [smem:$0x3FFC];
	_ =	sdelay $0x3  }
0x94: {  	_ =	strace s3  }
0x95: {  	s3 =	sld [smem:$0x3FFD];
	_ =	sdelay $0x3  }
0x96: {  	_ =	strace s3  }
0x97: {  	_ =	strace $0x8FFFFFFF  }
0x98: {  	s19 =	sld [smem:$0x3FDB];
	_ =	sdelay $0x1  }
0x99: {  	s4 =	simm.s32 $_scs_section_size  }
0x9a: {  	s5 =	simm.s32 $_size__tile_overlayer_lowered;
	s6 =	simm.s32 $_tile_overlayer_lowered  }
0x9b: {  	s22 =	simm.s32 $0x1BFF;
	s21 =	sshll.u32 s6, $0x1;
	s3 =	sadd.s32 s4, s19  }
0x9c: {  	s7 =	simm.s32 $0x0;
	s20 =	sshll.u32 s5, $0x1;
	s5 =	sadd.s32 s21, s3  }
0x9d: {  	[timem:s7], [sflag:s22] =	dma.local [hbm:s5], s20  }
0x9e: {  	_ =	swait.ge [sflag:s22], s20  }
0x9f: {  	s4 =	ssub.s32 $0x0, s20;
	[sflag:s22] =	ssyncset.done $0x0  }
0xa0: {  	[sflag:s22] =	ssyncadd.s32 s4;
	_ =	sdelay $0x1  }
0xa1: {  	s23 =	simm.s32 $0x1B8B  }
0xa2: {  	_ =	swait.ge [sflag:s23], $0x1  }
0xa3: {  	[sflag:s23] =	ssyncset.done $0x0  }
0xa4: {  	s25 =	simm.s32 $0x1B8E;
	s24 =	sld [smem:$0x3FFE];
	[sflag:s23] =	ssyncadd.s32 $0xFFFFFFFF  }
0xa5: {  	s26 =	simm.s32 $execute0_lowered;
	[smem:$0x3FD2] =	sst s25  }
0xa6: {  	s5 =	sshll.u32 s26, $0x1;
	_ =	strace $0x80000046;
	[dreg:$0x1] =	wrdreg $0xFFFFFFFF  }
0xa7: {  	s28 =	simm.s32 $_size_execute0_lowered;
	s3 =	sadd.s32 s3, s5;
	[dreg:$0x0] =	wrdreg $0x0  }
0xa8: {  	s5 =	sshll.u32 s28, $0x1;
	[dreg:$0x2] =	wrdreg s3  }
0xa9: {  	[dreg:$0x3] =	wrdreg s5  }
0xaa: {  	[dreg:$0x4] =	wrdreg $0xC0  }
0xab: {  	_ =	task [dreg:s7], $0x5FFFF  }
0xac: {  	[dreg:$0x1] =	wrdreg $0xFFFFFFFF  }
0xad: {  	[dreg:$0x0] =	wrdreg $0x60  }
0xae: {  	[dreg:$0x2] =	wrdreg s24  }
0xaf: {  	[dreg:$0x3] =	wrdreg s2  }
0xb0: {  	[dreg:$0x4] =	wrdreg $0x0  }
0xb1: {  	[dreg:$0x5] =	wrdreg $0x9  }
0xb2: {  	_ =	task.clear_ibuf [dreg:s7], $0x6FFFF;
	_ =	strace $0x90000046  }
0xb3: {  	s29 =	simm.s32 $0x9;
	_ =	strace $0x80000048  }
0xb4: {  	_ =	swait.ge [sflag:s29], $0x1  }
0xb5: {  	[sflag:s29] =	ssyncadd.s32 $0xFFFFFFFF  }
0xb6: {  	_ =	strace $0x90000048  }
0xb7: {  	_ =	sfence  }
0xb8: {  	s30 =	sld [smem:$0x0];
	_ =	sdelay $0x2  }
0xb9: {  	s31 =	sshll.u32 s1, $0xD;
	s1 =	sshrl.u32 s1, $0x2  }
0xba: {  	s3 =	sand.u32 $0x4000, s31;
	s1 =	sadd.s32 s1, s30  }
0xbb: {  	s0 =	sor.u32 s3, s0;
	s1 =	sshll.u32 s1, $0x11  }
0xbc: {  	s0 =	sor.u32 s1, s0  }
0xbd: {  	s0 =	sadd.s32 $0x8F2B, s0  }
0xbe: {  	[sflag:s0] =	ssyncadd.remote.s32 $0x1  }
0xbf: {  	_ =	sfence.sel $0xFFFF  }
0xc0: {  	[dreg:$0x0] =	wrdreg $0xFFFFFFFF;
	(pc) =	sbr.abs _section_cstart, $3  }
0xc1: {  	[dreg:$0x1] =	wrdreg $0xFFFFFFFF  }
0xc2: {  	_ =	task.clear_ibuf [dreg:s7], $0x2FFFF;
	_ =	strace $0x9FFFFFFF  }
0xc3: {  	(tm) =	ssettm $0x7FFFFFFF  }
tec
execute0_lowered:
.L_overlay_start_1:
0x0: {  	(tag) =	ssettag $0x1  }
0x1: {  	s4 =	rddreg [dreg:$0x0]  }
0x2: {  	s1 =	rddreg [dreg:$0x1]  }
0x3: {  	s2 =	rddreg [dreg:$0x2]  }
0x4: {  	s0 =	rddreg [dreg:$0x3]  }
0x5: {  	s3 =	simm.s32 $0x0;
	s5 =	srdreg.scid;
	s16 =	stileid.u32  }
0x6: {  	s11 =	simm.s32 $0x2A80;
	s12 =	simm.s32 $0x50;
	s13 =	simm.s32 $0x2C80  }
0x7: {  	s18 =	simm.s32 $0x0;
	[smem:$0x7FF] =	sst s3;
	s5 =	sand.u32 $0x1, s5  }
0x8: {  	s7 =	sadd.s32 $0x1C00, s4;
	s6 =	sshll.u32 s16, $0x7;
	s9 =	sadd.s32 $0x6C00, s4  }
0x9: {  	p1 =	slt.u32 s16, $0xA;
	s31 =	sshll.u32 s16, $0xA;
	s10 =	smul.u32 $0x500, s16  }
0xa: {  	_ =	strace $0x80000047;
	s8 =	ssub.s32 $0x2, s5;
	s6 =	sadd.s32 s6, s4  }
0xb: {  	p0 =	seq.s32 s5, $0x0;
	p3 =	seq.s32 s5, $0x1;
	s17 =	sadd.s32 s31, s2  }
0xc: {  	s30 =	sshrl.u32 s8, $0x1;
	p0 =	por !p0, !p1;
	p1 =	por !p1, !p3  }
0xd: {  	s4 =	sadd.s32 $0xBC00, s6;
	s5 =	sadd.s32 $0xC200, s6;
	s7 =	smov.u32 @p3 s9  }
0xe: {  	s9 =	simm.s32 $0x1;
	s8 =	ssub.s32 s8, s30;
	p0 =	por !p0, !p0  }
0xf: {  	p2 =	por !p1, !p1;
	s7 =	sadd.s32 s10, s7;
	p1 =	sne.s32 s16, $0x0  }
0x10: {  	v0 =	vlaneseq.u32;
	s6 =	smax.u32 s8, $0x1;
	s8 =	simm.s32 $0x280;
	s10 =	sshrl.u32 @!p1 s2, $0x3  }
0x11: {  	v5 =	vimm.s32 $0x1;
	v1 =	vor.u32 $0x10, v0;
	s14 =	sshll.u32 @p0 s16, $0x6;
	s15 =	sshrl.u32 @p0 s17, $0x3;
	s16 =	sshll.u32 @p2 s16, $0x6  }
0x12: {  	v2 =	vor.u32 $0x20, v0;
	v3 =	vor.u32 $0x30, v0;
	v4 =	vor.u32 $0x40, v0;
	s17 =	sshrl.u32 @p2 s17, $0x3;
	s14 =	sor.u32 @p0 $0x1C01, s14;
	s16 =	sor.u32 @p2 $0x1C01, s16  }
.LBB2_1:
0x13: {  	[tilespmem:s8], [sflag:$0x1] =	stream.linear.gather [hbm4b:s1+s3], $0x2800, $0x38;
	[tilespmem:$0x2D00] =	vst v63  }
0x14: {  	_ =	swait.ge [sflag:s9], $0x2800  }
0x15: {  	[sflag:s9] =	ssyncset.done $0x0  }
0x16: {  	[sflag:s9] =	ssyncadd.s32 $0xFFFFD800  }
0x17: {  	[tilespmem:$0x2C80] =	vst v0  }
0x18: {  	[tilespmem:$0x2C90] =	vst v1  }
0x19: {  	[tilespmem:$0x2CA0] =	vst v2  }
0x1a: {  	[tilespmem:$0x2CB0] =	vst v3  }
0x1b: {  	s19 =	simm.s32 @!p1 $0x1C01;
	[tilespmem:$0x2CC0] =	vst v4  }
0x1c: {  	[spmem:s10], [sflag:s19] =	dma.local @!p1 [hbm:s1], $0x500  }
0x1d: {  	s19 =	simm.s32 @!p1 $0x1  }
0x1e: {  	_ =	swait.ge @!p1 [sflag:s19], $0x500  }
0x1f: {  	[sflag:s19] =	ssyncset.done @!p1 $0x0  }
0x20: {  	[sflag:s19] =	ssyncadd.s32 @!p1 $0xFFFFFB00;
	s19 =	simm.s32 $0x0  }
.LBB2_2:
0x21: {  	s20 =	sadd.s32 s19, s7  }
0x22: {  	[tilespmem:s11], [sflag:$0x1] =	stream.linear.gather [hbm4b:s20+s3], $0x200, $0x38;
	[tilespmem:$0x2D00] =	vst v63  }
0x23: {  	_ =	swait.ge [sflag:s9], $0x200  }
0x24: {  	[sflag:s9] =	ssyncset.done $0x0  }
0x25: {  	[sflag:s9] =	ssyncadd.s32 $0xFFFFFE00  }
0x26: {  	v6 =	vld [tilespmem:$0x2A80];
	_ =	sdelay $0x7  }
0x27: {  	[tilespmem:v6+s8+$0x0] =	vst.idx.add.s32.msk $0xffff, v5  }
0x28: {  	v6 =	vld [tilespmem:$0x2A90];
	_ =	sdelay $0x7  }
0x29: {  	[tilespmem:v6+s8+$0x0] =	vst.idx.add.s32.msk $0xffff, v5  }
0x2a: {  	v6 =	vld [tilespmem:$0x2AA0];
	_ =	sdelay $0x7  }
0x2b: {  	[tilespmem:v6+s8+$0x0] =	vst.idx.add.s32.msk $0xffff, v5  }
0x2c: {  	v6 =	vld [tilespmem:$0x2AB0];
	_ =	sdelay $0x7  }
0x2d: {  	[tilespmem:v6+s8+$0x0] =	vst.idx.add.s32.msk $0xffff, v5  }
0x2e: {  	v6 =	vld [tilespmem:$0x2AC0];
	_ =	sdelay $0x7  }
0x2f: {  	[tilespmem:v6+s8+$0x0] =	vst.idx.add.s32.msk $0xffff, v5  }
0x30: {  	v6 =	vld [tilespmem:$0x2AD0];
	_ =	sdelay $0x7  }
0x31: {  	[tilespmem:v6+s8+$0x0] =	vst.idx.add.s32.msk $0xffff, v5  }
0x32: {  	v6 =	vld [tilespmem:$0x2AE0];
	_ =	sdelay $0x7  }
0x33: {  	[tilespmem:v6+s8+$0x0] =	vst.idx.add.s32.msk $0xffff, v5  }
0x34: {  	v6 =	vld [tilespmem:$0x2AF0];
	_ =	sdelay $0x7  }
0x35: {  	[tilespmem:v6+s8+$0x0] =	vst.idx.add.s32.msk $0xffff, v5  }
0x36: {  	v6 =	vld [tilespmem:$0x2B00];
	_ =	sdelay $0x7  }
0x37: {  	[tilespmem:v6+s8+$0x0] =	vst.idx.add.s32.msk $0xffff, v5  }
0x38: {  	v6 =	vld [tilespmem:$0x2B10];
	_ =	sdelay $0x7  }
0x39: {  	[tilespmem:v6+s8+$0x0] =	vst.idx.add.s32.msk $0xffff, v5  }
0x3a: {  	v6 =	vld [tilespmem:$0x2B20];
	_ =	sdelay $0x7  }
0x3b: {  	[tilespmem:v6+s8+$0x0] =	vst.idx.add.s32.msk $0xffff, v5  }
0x3c: {  	v6 =	vld [tilespmem:$0x2B30];
	_ =	sdelay $0x7  }
0x3d: {  	[tilespmem:v6+s8+$0x0] =	vst.idx.add.s32.msk $0xffff, v5  }
0x3e: {  	v6 =	vld [tilespmem:$0x2B40];
	_ =	sdelay $0x7  }
0x3f: {  	[tilespmem:v6+s8+$0x0] =	vst.idx.add.s32.msk $0xffff, v5  }
0x40: {  	v6 =	vld [tilespmem:$0x2B50];
	_ =	sdelay $0x7  }
0x41: {  	[tilespmem:v6+s8+$0x0] =	vst.idx.add.s32.msk $0xffff, v5  }
0x42: {  	v6 =	vld [tilespmem:$0x2B60];
	_ =	sdelay $0x7  }
0x43: {  	[tilespmem:v6+s8+$0x0] =	vst.idx.add.s32.msk $0xffff, v5  }
0x44: {  	v6 =	vld [tilespmem:$0x2B70];
	_ =	sdelay $0x7  }
0x45: {  	[tilespmem:v6+s8+$0x0] =	vst.idx.add.s32.msk $0xffff, v5  }
0x46: {  	v6 =	vld [tilespmem:$0x2B80];
	_ =	sdelay $0x7  }
0x47: {  	[tilespmem:v6+s8+$0x0] =	vst.idx.add.s32.msk $0xffff, v5  }
0x48: {  	v6 =	vld [tilespmem:$0x2B90];
	_ =	sdelay $0x7  }
0x49: {  	[tilespmem:v6+s8+$0x0] =	vst.idx.add.s32.msk $0xffff, v5  }
0x4a: {  	v6 =	vld [tilespmem:$0x2BA0];
	_ =	sdelay $0x7  }
0x4b: {  	[tilespmem:v6+s8+$0x0] =	vst.idx.add.s32.msk $0xffff, v5  }
0x4c: {  	v6 =	vld [tilespmem:$0x2BB0];
	_ =	sdelay $0x7  }
0x4d: {  	[tilespmem:v6+s8+$0x0] =	vst.idx.add.s32.msk $0xffff, v5  }
0x4e: {  	v6 =	vld [tilespmem:$0x2BC0];
	_ =	sdelay $0x7  }
0x4f: {  	[tilespmem:v6+s8+$0x0] =	vst.idx.add.s32.msk $0xffff, v5  }
0x50: {  	v6 =	vld [tilespmem:$0x2BD0];
	_ =	sdelay $0x7  }
0x51: {  	[tilespmem:v6+s8+$0x0] =	vst.idx.add.s32.msk $0xffff, v5  }
0x52: {  	v6 =	vld [tilespmem:$0x2BE0];
	_ =	sdelay $0x7  }
0x53: {  	[tilespmem:v6+s8+$0x0] =	vst.idx.add.s32.msk $0xffff, v5  }
0x54: {  	v6 =	vld [tilespmem:$0x2BF0];
	_ =	sdelay $0x7  }
0x55: {  	[tilespmem:v6+s8+$0x0] =	vst.idx.add.s32.msk $0xffff, v5  }
0x56: {  	v6 =	vld [tilespmem:$0x2C00];
	_ =	sdelay $0x7  }
0x57: {  	[tilespmem:v6+s8+$0x0] =	vst.idx.add.s32.msk $0xffff, v5  }
0x58: {  	v6 =	vld [tilespmem:$0x2C10];
	_ =	sdelay $0x7  }
0x59: {  	[tilespmem:v6+s8+$0x0] =	vst.idx.add.s32.msk $0xffff, v5  }
0x5a: {  	v6 =	vld [tilespmem:$0x2C20];
	_ =	sdelay $0x7  }
0x5b: {  	[tilespmem:v6+s8+$0x0] =	vst.idx.add.s32.msk $0xffff, v5  }
0x5c: {  	v6 =	vld [tilespmem:$0x2C30];
	_ =	sdelay $0x7  }
0x5d: {  	[tilespmem:v6+s8+$0x0] =	vst.idx.add.s32.msk $0xffff, v5  }
0x5e: {  	v6 =	vld [tilespmem:$0x2C40];
	_ =	sdelay $0x7  }
0x5f: {  	[tilespmem:v6+s8+$0x0] =	vst.idx.add.s32.msk $0xffff, v5  }
0x60: {  	v6 =	vld [tilespmem:$0x2C50];
	_ =	sdelay $0x7  }
0x61: {  	[tilespmem:v6+s8+$0x0] =	vst.idx.add.s32.msk $0xffff, v5  }
0x62: {  	v6 =	vld [tilespmem:$0x2C60];
	_ =	sdelay $0x7  }
0x63: {  	[tilespmem:v6+s8+$0x0] =	vst.idx.add.s32.msk $0xffff, v5  }
0x64: {  	v6 =	vld [tilespmem:$0x2C70];
	_ =	sdelay $0x2  }
0x65: {  	p3 =	sne.s32 s19, $0x4C0  }
.Ltmp0:
0x66: {  	_ = 	snop;
	(pc) =	sbr.rel @p3 .LBB2_2-.Ltmp0, $2  }
0x67: {  	_ =	sdelay $0x2  }
0x68: {  	s19 =	sadd.s32 $0x40, s19;
	[tilespmem:v6+s8+$0x0] =	vst.idx.add.s32.msk $0xffff, v5  }
0x69: {  	[bflag:$0x0] =	sbarrier.arrive $0xFFFF  }
0x6a: {  	[spmem:s2] =	stream.indirect.scatter.add.s32 [tilespmem:s8], [sflag:$0x1], $0x80, s13, s12, $0xb8;
	[tilespmem:$0x2D00] =	vst v63  }
0x6b: {  	_ =	swait.ge [sflag:s9], $0x2800  }
0x6c: {  	[sflag:s9] =	ssyncset.done $0x0  }
0x6d: {  	[sflag:s9] =	ssyncadd.s32 $0xFFFFD800  }
0x6e: {  	s19 =	simm.s32 @p0 $0x1;
	[bflag:$0x0] =	sbarrier.arrive $0xFFFF  }
0x6f: {  	[hbm:s4], [sflag:s14] =	dma.local @p0 [spmem:s15], $0x80  }
0x70: {  	s18 =	sadd.s32 $0x1, s18;
	_ =	swait.ge @p0 [sflag:s19], $0x80  }
0x71: {  	p3 =	sne.s32 s18, s6;
	[sflag:s19] =	ssyncset.done @p0 $0x0  }
.Ltmp1:
0x72: {  	[sflag:s19] =	ssyncadd.s32 @p0 $0xFFFFFF80;
	s19 =	simm.s32 @p2 $0x1;
	(pc) =	sbr.rel @p3 .LBB2_1-.Ltmp1, $4  }
0x73: {  	[hbm:s5], [sflag:s16] =	dma.local @p2 [spmem:s17], $0x80  }
0x74: {  	_ =	swait.ge @p2 [sflag:s19], $0x80  }
0x75: {  	[sflag:s19] =	ssyncset.done @p2 $0x0  }
0x76: {  	[sflag:s19] =	ssyncadd.s32 @p2 $0xFFFFFF80  }
0x77: {  	_ =	sfence.sel $0x180000  }
0x78: {  	[bflag:$0x0] =	sbarrier.arrive $0xFFFF  }
0x79: {  	_ =	strace $0x90000047  }
0x7a: {  	s0 =	sadd.s32 @!p1 $0x100000, s0;
	[bflag:$0x2] =	sbarrier.arrive $0xFFFF  }
0x7b: {  	[sflag:s0] =	ssyncadd.tile.s32 @!p1 $0x1;
	_ =	shalt  }
.Lfunc_end2:
_tile_overlayer_lowered:
.L_overlay_start_2:
0x7c: {  	(tag) =	ssettag $0x2  }
0x7d: {  	s0 =	rddreg [dreg:$0x0];
	s2 =	stileid.u32  }
0x7e: {  	s1 =	rddreg [dreg:$0x1];
	p0 =	sne.s32 s2, $0x0  }
0x7f: {  	s3 =	rddreg [dreg:$0x2];
	[bflag:$0x3] =	sbarrier.arrive $0xFFFF;
	s2 =	simm.s32 @!p0 $0x1C01  }
0x80: {  	[timem:s3], [sflag:s2] =	dma.local @!p0 [hbm:s0], s1  }
0x81: {  	s0 =	simm.s32 @!p0 $0x1  }
0x82: {  	_ =	swait.ge @!p0 [sflag:s0], s1  }
0x83: {  	s1 =	ssub.s32 @!p0 $0x0, s1;
	[sflag:s0] =	ssyncset.done @!p0 $0x0  }
0x84: {  	[sflag:s0] =	ssyncadd.s32 @!p0 s1  }
0x85: {  	[bflag:$0x3] =	sbarrier.arrive $0xFFFF  }
0x86: {  	_ =	shalt  }

// kernel: kernel.9.cloned.1.call-start
scs
__scs_entry_jumppad:
0x0: {  	(pc) =	sbr.rel $0x88, $3  }
0x1: {  	(tag) =	ssettag $0x0;
	lr =	simm.s32 $0x1  }
0x2: {  	[smem:$0x3F9B] =	sst lr;
	_ =	strace $0xD0000000  }
0x3: {  	_ = 	snop  }
0x4: {  	_ = 	snop  }
0x5: {  	_ = 	snop  }
0x6: {  	_ = 	snop  }
0x7: {  	_ = 	snop  }
__scs_overlays_trampoline_lowered:
0x8: {  	[smem:$0x3FAA] =	sst s0  }
0x9: {  	[smem:$0x3FAB] =	sst s1  }
0xa: {  	[smem:$0x3FAC] =	sst s2  }
0xb: {  	[smem:$0x3FAD] =	sst s3  }
0xc: {  	[smem:$0x3FAE] =	sst s4  }
0xd: {  	[smem:$0x3FAF] =	sst s5  }
0xe: {  	[smem:$0x3FB0] =	sst s6  }
0xf: {  	[smem:$0x3FB1] =	sst s7  }
0x10: {  	[smem:$0x3FB2] =	sst s8  }
0x11: {  	[smem:$0x3FB3] =	sst s9;
	s0 =	simm.s32 @!p0 $0x0  }
0x12: {  	s1 =	sld [smem:$0x3F99];
	s0 =	simm.s32 @p0 $0x1  }
0x13: {  	[smem:$0x3FB4] =	sst s0;
	s0 =	simm.s32 @!p1 $0x0  }
0x14: {  	s2 =	sld [smem:$0x3F98];
	s0 =	simm.s32 @p1 $0x1  }
0x15: {  	[smem:$0x3FB5] =	sst s0;
	s0 =	simm.s32 @!p2 $0x0  }
0x16: {  	s3 =	sld [smem:$0x3FDB];
	s0 =	simm.s32 @p2 $0x1  }
0x17: {  	s4 =	simm.s32 $0x1BF5;
	[smem:$0x3FB7] =	sst s0  }
0x18: {  	s0 =	sld [smem:$0x3F9A];
	_ =	swait.ge [sflag:s4], $0x0  }
0x19: {  	s7 =	sld [smem:$0x3F9B]  }
0x1a: {  	s8 =	sadd.s32 $0xFFFFE003, lr  }
0x1b: {  	s9 =	sadd.s32 $0xFFFFFEF7, lr;
	s5 =	simm.s32 $0xFFFFFFFF;
	p2 =	slt.u32 s8, $0xFFFFF086  }
0x1c: {  	p1 =	slt.u32 s9, $0xF7A;
	s5 =	simm.s32 @!p2 $0x0  }
0x1d: {  	s5 =	simm.s32 @p1 $0x1;
	p0 =	seq.s32 s7, s2  }
0x1e: {  	s7 =	smul.u32 @!p0 $0xF7A, s2;
	p2 =	seq.s32 @!p0 s5, $0x0  }
0x1f: {  	s9 =	smul.u32 $0xF7A, s1;
	s8 =	simm.s32 @!p0 $0x1BF5;
	p2 =	por !p2, p0  }
0x20: {  	[sflag:s8] =	ssyncset.s32 @!p0 $0xFFFFF086;
	s6 =	sadd.s32 @!p0 s3, s7;
	s7 =	simm.s32 @!p0 $0x108  }
0x21: {  	s3 =	sadd.s32 s3, s9;
	s6 =	sadd.s32 @!p0 $0x88, s6;
	s7 =	simm.s32 @p2 $0x1082  }
0x22: {  	[simem:s7], [sflag:s8] =	dma.local @!p0 [hbm:s6], $0xF7A  }
0x23: {  	s9 =	sor.u32 $0xD0000000, s2;
	s6 =	simm.s32 $0x108;
	_ =	swait.ge @!p0 [sflag:s8], $0x0  }
0x24: {  	s3 =	sadd.s32 $0x88, s3;
	s6 =	simm.s32 @!p1 $0x1082;
	[sflag:s4] =	ssyncset.s32 $0xFFFFF086  }
0x25: {  	[simem:s6], [sflag:s4] =	dma.local [hbm:s3], $0xF7A  }
0x26: {  	[smem:$0x3F9B] =	sst s1;
	(tag) =	ssettag s2;
	_ =	strace s9  }
0x27: {  	s1 =	sld [smem:$0x3FAB]  }
0x28: {  	s2 =	sld [smem:$0x3FAC]  }
0x29: {  	s4 =	sld [smem:$0x3FAE]  }
0x2a: {  	p0 =	seq.s32 s5, $0x0;
	s5 =	sld [smem:$0x3FAF]  }
0x2b: {  	s6 =	sld [smem:$0x3FB0]  }
0x2c: {  	s7 =	sld [smem:$0x3FB1]  }
0x2d: {  	s3 =	simm.s32 $0x108;
	s8 =	sld [smem:$0x3FB2]  }
0x2e: {  	s3 =	simm.s32 @!p0 $0x1082;
	s9 =	sld [smem:$0x3FB3]  }
0x2f: {  	lr =	sadd.s32 s0, s3;
	s0 =	sld [smem:$0x3FAA]  }
0x30: {  	s3 =	sld [smem:$0x3FAD]  }
0x31: {  	[smem:$0x3FB6] =	sst s10  }
0x32: {  	s10 =	sld [smem:$0x3FB4];
	_ =	sdelay $0x3  }
0x33: {  	p0 =	seq.s32 s10, $0x1;
	s10 =	sld [smem:$0x3FB6];
	_ =	sdelay $0x3  }
0x34: {  	[smem:$0x3FB6] =	sst s10  }
0x35: {  	s10 =	sld [smem:$0x3FB5];
	_ =	sdelay $0x3  }
0x36: {  	p1 =	seq.s32 s10, $0x1;
	s10 =	sld [smem:$0x3FB6];
	_ =	sdelay $0x3  }
0x37: {  	[smem:$0x3FB6] =	sst s10  }
0x38: {  	s10 =	sld [smem:$0x3FB7]  }
0x39: {  	_ = 	snop;
	(pc) =	sbr.ind lr, $3  }
0x3a: {  	_ = 	snop  }
0x3b: {  	_ = 	snop  }
0x3c: {  	p2 =	seq.s32 s10, $0x1;
	s10 =	sld [smem:$0x3FB6]  }
0x3d: {  	_ =	shalt  }
0x3e: {  	_ =	shalt  }
0x3f: {  	_ =	shalt  }
0x40: {  	_ =	shalt  }
0x41: {  	_ =	shalt  }
0x42: {  	_ =	shalt  }
0x43: {  	_ =	shalt  }
0x44: {  	_ =	shalt  }
0x45: {  	_ =	shalt  }
0x46: {  	_ =	shalt  }
0x47: {  	_ =	shalt  }
0x48: {  	_ =	shalt  }
0x49: {  	_ =	shalt  }
0x4a: {  	_ =	shalt  }
0x4b: {  	_ =	shalt  }
0x4c: {  	_ =	shalt  }
0x4d: {  	_ =	shalt  }
0x4e: {  	_ =	shalt  }
0x4f: {  	_ =	shalt  }
0x50: {  	_ =	shalt  }
0x51: {  	_ =	shalt  }
0x52: {  	_ =	shalt  }
0x53: {  	_ =	shalt  }
0x54: {  	_ =	shalt  }
0x55: {  	_ =	shalt  }
0x56: {  	_ =	shalt  }
0x57: {  	_ =	shalt  }
0x58: {  	_ =	shalt  }
0x59: {  	_ =	shalt  }
0x5a: {  	_ =	shalt  }
0x5b: {  	_ =	shalt  }
0x5c: {  	_ =	shalt  }
0x5d: {  	_ =	shalt  }
0x5e: {  	_ =	shalt  }
0x5f: {  	_ =	shalt  }
0x60: {  	_ =	shalt  }
0x61: {  	_ =	shalt  }
0x62: {  	_ =	shalt  }
0x63: {  	_ =	shalt  }
0x64: {  	_ =	shalt  }
0x65: {  	_ =	shalt  }
0x66: {  	_ =	shalt  }
0x67: {  	_ =	shalt  }
0x68: {  	_ =	shalt  }
0x69: {  	_ =	shalt  }
0x6a: {  	_ =	shalt  }
0x6b: {  	_ =	shalt  }
0x6c: {  	_ =	shalt  }
0x6d: {  	_ =	shalt  }
0x6e: {  	_ =	shalt  }
0x6f: {  	_ =	shalt  }
0x70: {  	_ =	shalt  }
0x71: {  	_ =	shalt  }
0x72: {  	_ =	shalt  }
0x73: {  	_ =	shalt  }
0x74: {  	_ =	shalt  }
0x75: {  	_ =	shalt  }
0x76: {  	_ =	shalt  }
0x77: {  	_ =	shalt  }
0x78: {  	_ =	shalt  }
0x79: {  	_ =	shalt  }
0x7a: {  	_ =	shalt  }
0x7b: {  	_ =	shalt  }
0x7c: {  	_ =	shalt  }
0x7d: {  	_ =	shalt  }
0x7e: {  	_ =	shalt  }
0x7f: {  	_ =	shalt  }
0x80: {  	_ =	shalt  }
0x81: {  	_ =	shalt  }
0x82: {  	_ =	shalt  }
0x83: {  	_ =	shalt  }
0x84: {  	_ =	shalt  }
0x85: {  	_ =	shalt  }
0x86: {  	_ =	shalt  }
0x87: {  	_ =	shalt  }
.Lfunc_end0:
.L_simem_size_0:
called_computation.1_lowered:
.L_overlay_start_0:
0x88: {  	s2 =	sld [smem:$0x3FD9]  }
0x89: {  	s3 =	sld [smem:$0x3FFE];
	_ =	sdelay $0x1  }
0x8a: {  	s1 =	srdreg.scid  }
0x8b: {  	s0 =	sand.u32 $0x1, s1  }
0x8c: {  	s17 =	sshll.u32 s0, $0xA;
	s2 =	sadd.s32 s3, s2  }
0x8d: {  	s2 =	sadd.s32 s2, s17  }
0x8e: {  	[smem:$0x3FC2] =	sst s2  }
0x8f: {  	_ = 	snop  }
0x90: {  	s2 =	sld [smem:$0x3FD0];
	(tm) =	ssettm $0x1  }
0x91: {  	s18 =	sld [smem:$0x3FFB];
	_ =	sdelay $0x3  }
0x92: {  	_ =	strace s18  }
0x93: {  	s3 =	sld [smem:$0x3FFC];
	_ =	sdelay $0x3  }
0x94: {  	_ =	strace s3  }
0x95: {  	s3 =	sld [smem:$0x3FFD];
	_ =	sdelay $0x3  }
0x96: {  	_ =	strace s3  }
0x97: {  	_ =	strace $0x8FFFFFFF  }
0x98: {  	s19 =	sld [smem:$0x3FDB];
	_ =	sdelay $0x1  }
0x99: {  	s4 =	simm.s32 $_scs_section_size  }
0x9a: {  	s5 =	simm.s32 $_size__tile_overlayer_lowered;
	s6 =	simm.s32 $_tile_overlayer_lowered  }
0x9b: {  	s22 =	simm.s32 $0x1BFF;
	s21 =	sshll.u32 s6, $0x1;
	s3 =	sadd.s32 s4, s19  }
0x9c: {  	s7 =	simm.s32 $0x0;
	s20 =	sshll.u32 s5, $0x1;
	s5 =	sadd.s32 s21, s3  }
0x9d: {  	[timem:s7], [sflag:s22] =	dma.local [hbm:s5], s20  }
0x9e: {  	_ =	swait.ge [sflag:s22], s20  }
0x9f: {  	s4 =	ssub.s32 $0x0, s20;
	[sflag:s22] =	ssyncset.done $0x0  }
0xa0: {  	[sflag:s22] =	ssyncadd.s32 s4;
	_ =	sdelay $0x1  }
0xa1: {  	s23 =	simm.s32 $0x1B8B  }
0xa2: {  	_ =	swait.ge [sflag:s23], $0x1  }
0xa3: {  	[sflag:s23] =	ssyncset.done $0x0  }
0xa4: {  	s25 =	simm.s32 $0x1B8E;
	s24 =	sld [smem:$0x3FFE];
	[sflag:s23] =	ssyncadd.s32 $0xFFFFFFFF  }
0xa5: {  	s26 =	simm.s32 $execute0_lowered;
	[smem:$0x3FD2] =	sst s25  }
0xa6: {  	s5 =	sshll.u32 s26, $0x1;
	_ =	strace $0x80000049;
	[dreg:$0x1] =	wrdreg $0xFFFFFFFF  }
0xa7: {  	s28 =	simm.s32 $_size_execute0_lowered;
	s3 =	sadd.s32 s3, s5;
	[dreg:$0x0] =	wrdreg $0x0  }
0xa8: {  	s5 =	sshll.u32 s28, $0x1;
	[dreg:$0x2] =	wrdreg s3  }
0xa9: {  	[dreg:$0x3] =	wrdreg s5  }
0xaa: {  	[dreg:$0x4] =	wrdreg $0xC0  }
0xab: {  	_ =	task [dreg:s7], $0x5FFFF  }
0xac: {  	[dreg:$0x1] =	wrdreg $0xFFFFFFFF  }
0xad: {  	[dreg:$0x0] =	wrdreg $0x60  }
0xae: {  	[dreg:$0x2] =	wrdreg s24  }
0xaf: {  	[dreg:$0x3] =	wrdreg s2  }
0xb0: {  	[dreg:$0x4] =	wrdreg $0x0  }
0xb1: {  	[dreg:$0x5] =	wrdreg $0x9  }
0xb2: {  	_ =	task.clear_ibuf [dreg:s7], $0x6FFFF;
	_ =	strace $0x90000049  }
0xb3: {  	s29 =	simm.s32 $0x9;
	_ =	strace $0x8000004B  }
0xb4: {  	_ =	swait.ge [sflag:s29], $0x1  }
0xb5: {  	[sflag:s29] =	ssyncadd.s32 $0xFFFFFFFF  }
0xb6: {  	_ =	strace $0x9000004B  }
0xb7: {  	_ =	sfence  }
0xb8: {  	s30 =	sld [smem:$0x0];
	_ =	sdelay $0x2  }
0xb9: {  	s31 =	sshll.u32 s1, $0xD;
	s1 =	sshrl.u32 s1, $0x2  }
0xba: {  	s3 =	sand.u32 $0x4000, s31;
	s1 =	sadd.s32 s1, s30  }
0xbb: {  	s0 =	sor.u32 s3, s0;
	s1 =	sshll.u32 s1, $0x11  }
0xbc: {  	s0 =	sor.u32 s1, s0  }
0xbd: {  	s0 =	sadd.s32 $0x8F2B, s0  }
0xbe: {  	[sflag:s0] =	ssyncadd.remote.s32 $0x1  }
0xbf: {  	_ =	sfence.sel $0xFFFF  }
0xc0: {  	[dreg:$0x0] =	wrdreg $0xFFFFFFFF;
	(pc) =	sbr.abs _section_cstart, $3  }
0xc1: {  	[dreg:$0x1] =	wrdreg $0xFFFFFFFF  }
0xc2: {  	_ =	task.clear_ibuf [dreg:s7], $0x2FFFF;
	_ =	strace $0x9FFFFFFF  }
0xc3: {  	(tm) =	ssettm $0x7FFFFFFF  }
tec
execute0_lowered:
.L_overlay_start_1:
0x0: {  	(tag) =	ssettag $0x1  }
0x1: {  	s0 =	rddreg [dreg:$0x0]  }
0x2: {  	s1 =	rddreg [dreg:$0x1]  }
0x3: {  	s3 =	srdreg.scid;
	s12 =	stileid.u32  }
0x4: {  	s2 =	rddreg [dreg:$0x2];
	s18 =	simm.s32 $0x9;
	s19 =	simm.s32 $0x14000  }
0x5: {  	s20 =	simm.s32 $0x14200;
	s28 =	simm.s32 $0x2;
	s29 =	simm.s32 $0x4  }
0x6: {  	s30 =	simm.s32 $0x5;
	s31 =	simm.s32 $0x14400;
	s4 =	smul.u32 $0x280, s12  }
0x7: {  	s5 =	sand.u32 $0x1, s3;
	s3 =	simm.s32 $0x0;
	s10 =	smul.u32 $0x50000, s12  }
0x8: {  	s8 =	sadd.s32 $0x1C00, s0;
	s9 =	sadd.s32 $0x6C00, s0;
	s11 =	smul.u32 $0x2800, s12  }
0x9: {  	s22 =	sshll.u32 s12, $0x6;
	s12 =	smul.u32 $0x500, s12;
	[smem:$0x7FF] =	sst s3  }
0xa: {  	s7 =	smul.u32 $0x2800, s5;
	s5 =	ssub.s32 $0x2, s5;
	_ =	strace $0x8000004A  }
0xb: {  	s21 =	sshrl.u32 s5, $0x1;
	s10 =	sshrl.u32 s10, $0x2;
	s1 =	sadd.s32 s1, s11  }
0xc: {  	s23 =	sshrl.u32 s11, $0x3;
	s15 =	sadd.s32 s12, s9;
	s16 =	sadd.s32 s12, s8  }
0xd: {  	s4 =	sadd.s32 s4, s7;
	s5 =	ssub.s32 s5, s21;
	s10 =	sadd.s32 s10, s2  }
0xe: {  	[dreg:$0x4] =	wrdreg s1;
	s11 =	sadd.s32 s8, s23;
	s24 =	sadd.s32 s9, s23  }
0xf: {  	s25 =	sor.u32 $0x14, s23;
	s1 =	sor.u32 $0x28, s23;
	s21 =	simm.s32 $0x14100  }
0x10: {  	s23 =	simm.s32 $0x1;
	v0 =	vmov s7;
	s7 =	simm.s32 $0x14500;
	[dreg:$0x5] =	wrdreg s11  }
0x11: {  	s6 =	sshll.u32 s4, $0x4;
	s4 =	sadd.s32 $0x5C800, s0;
	[dreg:$0x6] =	wrdreg s24  }
0x12: {  	s13 =	sadd.s32 s8, s25;
	s11 =	sadd.s32 s9, s25;
	s26 =	sadd.s32 s8, s1  }
0x13: {  	s1 =	sadd.s32 s9, s1;
	s14 =	smax.u32 s5, $0x1;
	s17 =	sshrl.u32 s10, $0x3  }
0x14: {  	s24 =	simm.s32 $0x3;
	s25 =	simm.s32 $0xA0;
	[dreg:$0x7] =	wrdreg s13  }
.Ltmp0:
0x15: {  	s5 =	simm.s32 $0x6;
	[dreg:$0x8] =	wrdreg s11;
	(pc) =	sbr.rel .LBB2_1-.Ltmp0, $4  }
0x16: {  	s8 =	simm.s32 $0x8;
	s9 =	simm.s32 $0x0;
	[dreg:$0x9] =	wrdreg s26  }
0x17: {  	s0 =	sadd.s32 s6, s0;
	s6 =	sor.u32 $0x1C09, s22;
	[dreg:$0xa] =	wrdreg s1  }
0x18: {  	s22 =	simm.s32 $0x14300;
	s26 =	simm.s32 $0x14600;
	s0 =	sadd.s32 $0xAC800, s0  }
0x19: {  	s1 =	simm.s32 $0x19600;
	[dreg:$0xb] =	wrdreg s0;
	s0 =	simm.s32 $0x7  }
.LBB2_4:
0x1a: {  	_ =	swait.ge [sflag:s5], $0x5000  }
0x1b: {  	[sflag:s5] =	ssyncset.done $0x0  }
0x1c: {  	[sflag:s5] =	ssyncadd.s32 $0xFFFFB000  }
0x1d: {  	[spmem:s2] =	stream.indirect.scatter.add.f32 [tilespmem:s1], [sflag:$0x8], $0x80, s7, s25, $0xb8;
	[tilespmem:$0x1E600] =	vst v63  }
0x1e: {  	_ =	swait.ge [sflag:s0], $0x5000  }
0x1f: {  	[sflag:s0] =	ssyncset.done $0x0  }
0x20: {  	[sflag:s0] =	ssyncadd.s32 $0xFFFFB000  }
0x21: {  	_ =	swait.ge [sflag:s8], $0x5000  }
0x22: {  	[sflag:s8] =	ssyncset.done $0x0  }
0x23: {  	s9 =	sadd.s32 $0x1, s9;
	[sflag:s8] =	ssyncadd.s32 $0xFFFFB000  }
0x24: {  	p0 =	sne.s32 s9, s14;
	[bflag:$0x0] =	sbarrier.arrive $0xFFFF  }
.Ltmp1:
0x25: {  	s10 =	rddreg [dreg:$0xb];
	(pc) =	sbr.rel @!p0 .LBB2_5-.Ltmp1, $4  }
0x26: {  	[hbm:s10], [sflag:s6] =	dma.local [spmem:s17], $0x2800  }
0x27: {  	_ =	swait.ge [sflag:s18], $0x2800  }
0x28: {  	[sflag:s18] =	ssyncset.done $0x0  }
0x29: {  	[sflag:s18] =	ssyncadd.s32 $0xFFFFD800  }
.LBB2_1:
0x2a: {  	s10 =	rddreg [dreg:$0x4]  }
0x2b: {  	[spmem:s17], [sflag:s6] =	dma.local [hbm:s10], $0x2800  }
0x2c: {  	_ =	swait.ge [sflag:s18], $0x2800  }
0x2d: {  	[sflag:s18] =	ssyncset.done $0x0  }
0x2e: {  	[sflag:s18] =	ssyncadd.s32 $0xFFFFD800  }
0x2f: {  	[bflag:$0x0] =	sbarrier.arrive $0xFFFF  }
0x30: {  	s11 =	rddreg [dreg:$0x5]  }
0x31: {  	[tilespmem:s19], [sflag:$0x1] =	stream.linear.gather [hbm4b:s11+s3], $0xA0, $0x38;
	[tilespmem:$0x1E600] =	vst v63  }
0x32: {  	s12 =	rddreg [dreg:$0x6]  }
0x33: {  	[tilespmem:s20], [sflag:$0x3] =	stream.linear.gather [hbm4b:s12+s3], $0xA0, $0x38;
	[tilespmem:$0x1E600] =	vst v63  }
0x34: {  	s13 =	rddreg [dreg:$0x7]  }
0x35: {  	[tilespmem:s21], [sflag:$0x2] =	stream.linear.gather [hbm4b:s13+s3], $0xA0, $0x38;
	[tilespmem:$0x1E600] =	vst v63  }
0x36: {  	s11 =	rddreg [dreg:$0x8]  }
0x37: {  	[tilespmem:s22], [sflag:$0x4] =	stream.linear.gather [hbm4b:s11+s3], $0xA0, $0x38;
	[tilespmem:$0x1E600] =	vst v63  }
0x38: {  	_ =	swait.ge [sflag:s23], $0xA0  }
0x39: {  	[sflag:s23] =	ssyncset.done $0x0  }
0x3a: {  	[sflag:s23] =	ssyncadd.s32 $0xFFFFFF60  }
0x3b: {  	_ =	swait.ge [sflag:s24], $0xA0  }
0x3c: {  	[sflag:s24] =	ssyncset.done $0x0  }
0x3d: {  	[sflag:s24] =	ssyncadd.s32 $0xFFFFFF60  }
0x3e: {  	v1 =	vld [tilespmem:$0x14000]  }
0x3f: {  	v2 =	vld [tilespmem:$0x14200]  }
0x40: {  	v3 =	vld [tilespmem:$0x14010];
	_ =	sdelay $0x1  }
0x41: {  	v4 =	vld [tilespmem:$0x14210]  }
0x42: {  	v6 =	vld [tilespmem:$0x14220]  }
0x43: {  	v48 =	vld [tilespmem:$0x14240];
	v1 =	vadd.s32 v0, v1;
	[tilespmem:$0x14400] =	vst v2  }
0x44: {  	v2 =	vadd.s32 v0, v3;
	[tilespmem:$0x14000] =	vst v1;
	v1 =	vld [tilespmem:$0x14030]  }
0x45: {  	[tilespmem:$0x14010] =	vst v2;
	v2 =	vld [tilespmem:$0x14040]  }
0x46: {  	v50 =	vld [tilespmem:$0x14250]  }
0x47: {  	v51 =	vld [tilespmem:$0x14270];
	[tilespmem:$0x14410] =	vst v4  }
0x48: {  	v53 =	vld [tilespmem:$0x14280];
	[tilespmem:$0x14420] =	vst v6  }
0x49: {  	v3 =	vld [tilespmem:$0x14230];
	[tilespmem:$0x14440] =	vst v48;
	v1 =	vadd.s32 v0, v1  }
0x4a: {  	v2 =	vadd.s32 v0, v2;
	[tilespmem:$0x14030] =	vst v1;
	v1 =	vld [tilespmem:$0x14060]  }
0x4b: {  	[tilespmem:$0x14040] =	vst v2;
	v2 =	vld [tilespmem:$0x14070]  }
0x4c: {  	v5 =	vld [tilespmem:$0x14020];
	[tilespmem:$0x14450] =	vst v50  }
0x4d: {  	v49 =	vld [tilespmem:$0x14050];
	[tilespmem:$0x14470] =	vst v51  }
0x4e: {  	v52 =	vld [tilespmem:$0x14080];
	[tilespmem:$0x14480] =	vst v53  }
0x4f: {  	[tilespmem:$0x14430] =	vst v3;
	v3 =	vld [tilespmem:$0x14260];
	v1 =	vadd.s32 v0, v1  }
0x50: {  	v2 =	vadd.s32 v0, v2;
	[tilespmem:$0x14060] =	vst v1;
	v1 =	vld [tilespmem:$0x14090]  }
0x51: {  	v47 =	vadd.s32 v0, v5;
	[tilespmem:$0x14070] =	vst v2;
	v2 =	vld [tilespmem:$0x14290]  }
0x52: {  	v4 =	vadd.s32 v0, v49;
	[tilespmem:$0x14020] =	vst v47  }
0x53: {  	[tilespmem:$0x14050] =	vst v4  }
0x54: {  	[tilespmem:$0x14460] =	vst v3;
	v3 =	vadd.s32 v0, v52  }
0x55: {  	[tilespmem:$0x14080] =	vst v3  }
0x56: {  	v1 =	vadd.s32 v0, v1;
	[tilespmem:$0x14490] =	vst v2  }
0x57: {  	[tilespmem:$0x14090] =	vst v1  }
0x58: {  	[tilespmem:s26], [sflag:$0x5] =	stream.indirect.gather [hbm4b:s4+s25], $0x80, s19, s25, $0xb8;
	[tilespmem:$0x1E600] =	vst v63  }
0x59: {  	_ =	swait.ge [sflag:s28], $0xA0  }
0x5a: {  	[sflag:s28] =	ssyncset.done $0x0  }
0x5b: {  	[sflag:s28] =	ssyncadd.s32 $0xFFFFFF60  }
0x5c: {  	_ =	swait.ge [sflag:s29], $0xA0  }
0x5d: {  	[sflag:s29] =	ssyncset.done $0x0  }
0x5e: {  	[sflag:s29] =	ssyncadd.s32 $0xFFFFFF60  }
0x5f: {  	v1 =	vld [tilespmem:$0x14100]  }
0x60: {  	v2 =	vld [tilespmem:$0x14300]  }
0x61: {  	v3 =	vld [tilespmem:$0x14110];
	_ =	sdelay $0x1  }
0x62: {  	v54 =	vld [tilespmem:$0x14310]  }
0x63: {  	v56 =	vld [tilespmem:$0x14320]  }
0x64: {  	v58 =	vld [tilespmem:$0x14340];
	v1 =	vadd.s32 v0, v1;
	[tilespmem:$0x14500] =	vst v2  }
0x65: {  	v2 =	vadd.s32 v0, v3;
	[tilespmem:$0x14100] =	vst v1;
	v1 =	vld [tilespmem:$0x14130]  }
0x66: {  	[tilespmem:$0x14110] =	vst v2;
	v2 =	vld [tilespmem:$0x14140]  }
0x67: {  	v60 =	vld [tilespmem:$0x14350]  }
0x68: {  	v61 =	vld [tilespmem:$0x14370];
	[tilespmem:$0x14510] =	vst v54  }
0x69: {  	v63 =	vld [tilespmem:$0x14380];
	[tilespmem:$0x14520] =	vst v56  }
0x6a: {  	v3 =	vld [tilespmem:$0x14330];
	[tilespmem:$0x14540] =	vst v58;
	v1 =	vadd.s32 v0, v1  }
0x6b: {  	v2 =	vadd.s32 v0, v2;
	[tilespmem:$0x14130] =	vst v1;
	v1 =	vld [tilespmem:$0x14160]  }
0x6c: {  	[tilespmem:$0x14140] =	vst v2;
	v2 =	vld [tilespmem:$0x14170]  }
0x6d: {  	v55 =	vld [tilespmem:$0x14120];
	[tilespmem:$0x14550] =	vst v60  }
0x6e: {  	v59 =	vld [tilespmem:$0x14150];
	[tilespmem:$0x14570] =	vst v61  }
0x6f: {  	v62 =	vld [tilespmem:$0x14180];
	[tilespmem:$0x14580] =	vst v63  }
0x70: {  	[tilespmem:$0x14530] =	vst v3;
	v3 =	vld [tilespmem:$0x14360];
	v1 =	vadd.s32 v0, v1  }
0x71: {  	v2 =	vadd.s32 v0, v2;
	[tilespmem:$0x14160] =	vst v1;
	v1 =	vld [tilespmem:$0x14190]  }
0x72: {  	v57 =	vadd.s32 v0, v55;
	[tilespmem:$0x14170] =	vst v2;
	v2 =	vld [tilespmem:$0x14390]  }
0x73: {  	v4 =	vadd.s32 v0, v59;
	[tilespmem:$0x14120] =	vst v57  }
0x74: {  	[tilespmem:$0x14150] =	vst v4  }
0x75: {  	[tilespmem:$0x14560] =	vst v3;
	v3 =	vadd.s32 v0, v62  }
0x76: {  	[tilespmem:$0x14180] =	vst v3  }
0x77: {  	v1 =	vadd.s32 v0, v1;
	[tilespmem:$0x14590] =	vst v2  }
0x78: {  	[tilespmem:$0x14190] =	vst v1  }
0x79: {  	_ =	swait.ge [sflag:s30], $0x5000  }
0x7a: {  	[sflag:s30] =	ssyncset.done $0x0  }
0x7b: {  	[sflag:s30] =	ssyncadd.s32 $0xFFFFB000  }
0x7c: {  	[spmem:s2] =	stream.indirect.scatter.add.f32 [tilespmem:s26], [sflag:$0x7], $0x80, s31, s25, $0xb8;
	[tilespmem:$0x1E600] =	vst v63  }
0x7d: {  	_ = 	snop  }
0x7e: {  	[tilespmem:s1], [sflag:$0x6] =	stream.indirect.gather [hbm4b:s4+s25], $0x80, s21, s25, $0xb8;
	[tilespmem:$0x1E600] =	vst v63  }
0x7f: {  	s12 =	rddreg [dreg:$0x9]  }
0x80: {  	[tilespmem:s19], [sflag:$0x1] =	stream.linear.gather [hbm4b:s12+s3], $0xA0, $0x38;
	[tilespmem:$0x1E600] =	vst v63  }
0x81: {  	s10 =	simm.s32 $0xFFFFFB50;
	s13 =	rddreg [dreg:$0xa]  }
0x82: {  	[tilespmem:s20], [sflag:$0x3] =	stream.linear.gather [hbm4b:s13+s3], $0xA0, $0x38;
	[tilespmem:$0x1E600] =	vst v63  }
.LBB2_2:
0x83: {  	_ =	swait.ge [sflag:s23], $0xA0  }
0x84: {  	[sflag:s23] =	ssyncset.done $0x0  }
0x85: {  	[sflag:s23] =	ssyncadd.s32 $0xFFFFFF60  }
0x86: {  	_ =	swait.ge [sflag:s24], $0xA0  }
0x87: {  	[sflag:s24] =	ssyncset.done $0x0  }
0x88: {  	[sflag:s24] =	ssyncadd.s32 $0xFFFFFF60  }
0x89: {  	_ =	swait.ge [sflag:s0], $0x5000  }
0x8a: {  	[sflag:s0] =	ssyncset.done $0x0  }
0x8b: {  	[sflag:s0] =	ssyncadd.s32 $0xFFFFB000  }
0x8c: {  	v1 =	vld [tilespmem:$0x14000]  }
0x8d: {  	v2 =	vld [tilespmem:$0x14200]  }
0x8e: {  	v3 =	vld [tilespmem:$0x14010];
	_ =	sdelay $0x1  }
0x8f: {  	v4 =	vld [tilespmem:$0x14210]  }
0x90: {  	v6 =	vld [tilespmem:$0x14220]  }
0x91: {  	v48 =	vld [tilespmem:$0x14240];
	v1 =	vadd.s32 v0, v1;
	[tilespmem:$0x14400] =	vst v2  }
0x92: {  	v2 =	vadd.s32 v0, v3;
	[tilespmem:$0x14000] =	vst v1;
	v1 =	vld [tilespmem:$0x14030]  }
0x93: {  	[tilespmem:$0x14010] =	vst v2;
	v2 =	vld [tilespmem:$0x14040]  }
0x94: {  	v50 =	vld [tilespmem:$0x14250]  }
0x95: {  	v51 =	vld [tilespmem:$0x14270];
	[tilespmem:$0x14410] =	vst v4  }
0x96: {  	v53 =	vld [tilespmem:$0x14280];
	[tilespmem:$0x14420] =	vst v6  }
0x97: {  	v3 =	vld [tilespmem:$0x14230];
	[tilespmem:$0x14440] =	vst v48;
	v1 =	vadd.s32 v0, v1  }
0x98: {  	v2 =	vadd.s32 v0, v2;
	[tilespmem:$0x14030] =	vst v1;
	v1 =	vld [tilespmem:$0x14060]  }
0x99: {  	[tilespmem:$0x14040] =	vst v2;
	v2 =	vld [tilespmem:$0x14070]  }
0x9a: {  	v5 =	vld [tilespmem:$0x14020];
	[tilespmem:$0x14450] =	vst v50  }
0x9b: {  	v49 =	vld [tilespmem:$0x14050];
	[tilespmem:$0x14470] =	vst v51  }
0x9c: {  	v52 =	vld [tilespmem:$0x14080];
	[tilespmem:$0x14480] =	vst v53  }
0x9d: {  	[tilespmem:$0x14430] =	vst v3;
	v3 =	vld [tilespmem:$0x14260];
	v1 =	vadd.s32 v0, v1  }
0x9e: {  	v2 =	vadd.s32 v0, v2;
	[tilespmem:$0x14060] =	vst v1;
	v1 =	vld [tilespmem:$0x14090]  }
0x9f: {  	v47 =	vadd.s32 v0, v5;
	[tilespmem:$0x14070] =	vst v2;
	v2 =	vld [tilespmem:$0x14290]  }
0xa0: {  	v4 =	vadd.s32 v0, v49;
	[tilespmem:$0x14020] =	vst v47  }
0xa1: {  	[tilespmem:$0x14050] =	vst v4  }
0xa2: {  	[tilespmem:$0x14460] =	vst v3;
	v3 =	vadd.s32 v0, v52  }
0xa3: {  	[tilespmem:$0x14080] =	vst v3  }
0xa4: {  	v1 =	vadd.s32 v0, v1;
	[tilespmem:$0x14490] =	vst v2  }
0xa5: {  	[tilespmem:$0x14090] =	vst v1  }
0xa6: {  	_ =	swait.ge [sflag:s5], $0x5000  }
0xa7: {  	[sflag:s5] =	ssyncset.done $0x0  }
0xa8: {  	[sflag:s5] =	ssyncadd.s32 $0xFFFFB000  }
0xa9: {  	[spmem:s2] =	stream.indirect.scatter.add.f32 [tilespmem:s1], [sflag:$0x8], $0x80, s7, s25, $0xb8;
	[tilespmem:$0x1E600] =	vst v63  }
0xaa: {  	s11 =	sadd.s32 s10, s16  }
0xab: {  	[tilespmem:s26], [sflag:$0x5] =	stream.indirect.gather [hbm4b:s4+s25], $0x80, s19, s25, $0xb8;
	[tilespmem:$0x1E600] =	vst v63  }
0xac: {  	s12 =	sadd.s32 $0x4EC, s11  }
0xad: {  	[tilespmem:s21], [sflag:$0x2] =	stream.linear.gather [hbm4b:s12+s3], $0xA0, $0x38;
	[tilespmem:$0x1E600] =	vst v63  }
0xae: {  	s12 =	sadd.s32 s10, s15  }
0xaf: {  	s13 =	sadd.s32 $0x4EC, s12  }
0xb0: {  	[tilespmem:s22], [sflag:$0x4] =	stream.linear.gather [hbm4b:s13+s3], $0xA0, $0x38;
	[tilespmem:$0x1E600] =	vst v63  }
0xb1: {  	_ =	swait.ge [sflag:s28], $0xA0  }
0xb2: {  	[sflag:s28] =	ssyncset.done $0x0  }
0xb3: {  	[sflag:s28] =	ssyncadd.s32 $0xFFFFFF60  }
0xb4: {  	_ =	swait.ge [sflag:s29], $0xA0  }
0xb5: {  	[sflag:s29] =	ssyncset.done $0x0  }
0xb6: {  	[sflag:s29] =	ssyncadd.s32 $0xFFFFFF60  }
0xb7: {  	_ =	swait.ge [sflag:s8], $0x5000  }
0xb8: {  	[sflag:s8] =	ssyncset.done $0x0  }
0xb9: {  	[sflag:s8] =	ssyncadd.s32 $0xFFFFB000  }
0xba: {  	v1 =	vld [tilespmem:$0x14100]  }
0xbb: {  	v2 =	vld [tilespmem:$0x14300]  }
0xbc: {  	v3 =	vld [tilespmem:$0x14110];
	_ =	sdelay $0x1  }
0xbd: {  	v54 =	vld [tilespmem:$0x14310]  }
0xbe: {  	v56 =	vld [tilespmem:$0x14320]  }
0xbf: {  	v58 =	vld [tilespmem:$0x14340];
	v1 =	vadd.s32 v0, v1;
	[tilespmem:$0x14500] =	vst v2  }
0xc0: {  	v2 =	vadd.s32 v0, v3;
	[tilespmem:$0x14100] =	vst v1;
	v1 =	vld [tilespmem:$0x14130]  }
0xc1: {  	[tilespmem:$0x14110] =	vst v2;
	v2 =	vld [tilespmem:$0x14140]  }
0xc2: {  	v60 =	vld [tilespmem:$0x14350]  }
0xc3: {  	v61 =	vld [tilespmem:$0x14370];
	[tilespmem:$0x14510] =	vst v54  }
0xc4: {  	v63 =	vld [tilespmem:$0x14380];
	[tilespmem:$0x14520] =	vst v56  }
0xc5: {  	v3 =	vld [tilespmem:$0x14330];
	[tilespmem:$0x14540] =	vst v58;
	v1 =	vadd.s32 v0, v1  }
0xc6: {  	v2 =	vadd.s32 v0, v2;
	[tilespmem:$0x14130] =	vst v1;
	v1 =	vld [tilespmem:$0x14160]  }
0xc7: {  	[tilespmem:$0x14140] =	vst v2;
	v2 =	vld [tilespmem:$0x14170]  }
0xc8: {  	v55 =	vld [tilespmem:$0x14120];
	[tilespmem:$0x14550] =	vst v60  }
0xc9: {  	v59 =	vld [tilespmem:$0x14150];
	[tilespmem:$0x14570] =	vst v61  }
0xca: {  	v62 =	vld [tilespmem:$0x14180];
	[tilespmem:$0x14580] =	vst v63  }
0xcb: {  	[tilespmem:$0x14530] =	vst v3;
	v3 =	vld [tilespmem:$0x14360];
	v1 =	vadd.s32 v0, v1  }
0xcc: {  	v2 =	vadd.s32 v0, v2;
	[tilespmem:$0x14160] =	vst v1;
	v1 =	vld [tilespmem:$0x14190]  }
0xcd: {  	v57 =	vadd.s32 v0, v55;
	[tilespmem:$0x14170] =	vst v2;
	v2 =	vld [tilespmem:$0x14390]  }
0xce: {  	v4 =	vadd.s32 v0, v59;
	[tilespmem:$0x14120] =	vst v57  }
0xcf: {  	[tilespmem:$0x14150] =	vst v4  }
0xd0: {  	[tilespmem:$0x14560] =	vst v3;
	v3 =	vadd.s32 v0, v62  }
0xd1: {  	[tilespmem:$0x14180] =	vst v3  }
0xd2: {  	v1 =	vadd.s32 v0, v1;
	[tilespmem:$0x14590] =	vst v2  }
0xd3: {  	[tilespmem:$0x14190] =	vst v1  }
0xd4: {  	p0 =	seq.s32 s10, $0x0;
	_ =	swait.ge [sflag:s30], $0x5000  }
.Ltmp2:
0xd5: {  	[sflag:s30] =	ssyncset.done $0x0;
	(pc) =	sbr.rel @p0 .LBB2_4-.Ltmp2, $4  }
0xd6: {  	[sflag:s30] =	ssyncadd.s32 $0xFFFFB000  }
0xd7: {  	[spmem:s2] =	stream.indirect.scatter.add.f32 [tilespmem:s26], [sflag:$0x7], $0x80, s31, s25, $0xb8;
	[tilespmem:$0x1E600] =	vst v63  }
0xd8: {  	_ = 	snop  }
0xd9: {  	[tilespmem:s1], [sflag:$0x6] =	stream.indirect.gather [hbm4b:s4+s25], $0x80, s21, s25, $0xb8;
	[tilespmem:$0x1E600] =	vst v63  }
.Ltmp3:
0xda: {  	(pc) =	sbr.rel .LBB2_2-.Ltmp3, $4  }
0xdb: {  	s11 =	sadd.s32 $0x500, s11  }
0xdc: {  	[tilespmem:s19], [sflag:$0x1] =	stream.linear.gather [hbm4b:s11+s3], $0xA0, $0x38;
	[tilespmem:$0x1E600] =	vst v63  }
0xdd: {  	s13 =	sadd.s32 $0x500, s12;
	s10 =	sadd.s32 $0x28, s10  }
0xde: {  	[tilespmem:s20], [sflag:$0x3] =	stream.linear.gather [hbm4b:s13+s3], $0xA0, $0x38;
	[tilespmem:$0x1E600] =	vst v63  }
.LBB2_5:
0xdf: {  	_ =	sfence.sel $0x180000  }
0xe0: {  	[bflag:$0x0] =	sbarrier.arrive $0xFFFF  }
0xe1: {  	_ =	strace $0x9000004A  }
0xe2: {  	s0 =	stileid.u32;
	[bflag:$0x2] =	sbarrier.arrive $0xFFFF  }
0xe3: {  	p0 =	sne.s32 s0, $0x0;
	s0 =	rddreg [dreg:$0x3]  }
0xe4: {  	s0 =	sadd.s32 @!p0 $0x100000, s0  }
0xe5: {  	[sflag:s0] =	ssyncadd.tile.s32 @!p0 $0x1;
	_ =	shalt  }
.Lfunc_end2:
_tile_overlayer_lowered:
.L_overlay_start_2:
0xe6: {  	(tag) =	ssettag $0x2  }
0xe7: {  	s0 =	rddreg [dreg:$0x0];
	s2 =	stileid.u32  }
0xe8: {  	s1 =	rddreg [dreg:$0x1];
	p0 =	sne.s32 s2, $0x0  }
0xe9: {  	s3 =	rddreg [dreg:$0x2];
	[bflag:$0x3] =	sbarrier.arrive $0xFFFF;
	s2 =	simm.s32 @!p0 $0x1C09  }
0xea: {  	[timem:s3], [sflag:s2] =	dma.local @!p0 [hbm:s0], s1  }
0xeb: {  	s0 =	simm.s32 @!p0 $0x9  }
0xec: {  	_ =	swait.ge @!p0 [sflag:s0], s1  }
0xed: {  	s1 =	ssub.s32 @!p0 $0x0, s1;
	[sflag:s0] =	ssyncset.done @!p0 $0x0  }
0xee: {  	[sflag:s0] =	ssyncadd.s32 @!p0 s1  }
0xef: {  	[bflag:$0x3] =	sbarrier.arrive $0xFFFF  }
0xf0: {  	_ =	shalt  }

</sc_bundles>
